<compile_context>
chip_gen: v7x
topology: tpu7x:2x2x1
jax: 0.10.2.dev20260603
libtpu: 0.0.44.dev20260713+nightly
codegen_flags: <defaults>
</compile_context>

<pallas_src>
import functools
import math
import numpy as np
import jax
import jax.numpy as jnp
from jax.experimental import pallas as pl
from jax.experimental.pallas import tpu as pltpu
from jax.experimental.pallas import tpu_sc as plsc

_PHYSIO = [(0, 7), (0, 10), (0, 6), (0, 4), (0, 8), (0, 11), (1, 7), (2, 9),
           (3, 4), (4, 10), (5, 6), (6, 10), (8, 9), (8, 10), (10, 11), (11, 12)]
_B, _T, _DYN, _STAT, _POS, _NODES = 512, 32, 13, 7, 32, 13
_HEADS, _GAT_H = 4, 32
_HID = 256
_BBLK = 32


def _adj_np():
    a = np.zeros((_NODES, _NODES), np.float32)
    for u, v in _PHYSIO:
        a[u, v] = 1.0
        a[v, u] = 1.0
    np.fill_diagonal(a, 1.0)
    return a


def _pe_np(d_model=_POS, max_len=5000):
    pos = np.arange(max_len, dtype=np.float32)[:, None]
    div = np.exp(np.arange(0, d_model, 2).astype(np.float32) * (-math.log(10000.0) / d_model))
    pe = np.zeros((max_len, d_model), np.float32)
    pe[:, 0::2] = np.sin(pos * div)
    pe[:, 1::2] = np.cos(pos * div)
    return pe


_ADJ = _adj_np()
_PE = _pe_np()

_S = _NODES * _HEADS
_P = _NODES * _NODES * _HEADS
_F = _NODES * 128
_SRC_EXP = np.kron(np.eye(_NODES, dtype=np.float32),
                   np.tile(np.eye(_HEADS, dtype=np.float32), (1, _NODES)))
_DST_EXP = np.tile(np.eye(_S, dtype=np.float32), (1, _NODES))
_SRCDST = np.vstack([_SRC_EXP, _DST_EXP])
_RED = np.ascontiguousarray(_DST_EXP.T)
_MASKP = np.repeat(_ADJ.reshape(-1), _HEADS)[None, :].astype(np.float32)
_EXPC = np.kron(np.eye(_NODES, dtype=np.float32),
                np.repeat(np.eye(_HEADS, dtype=np.float32), 32, axis=1))
_NBRS = [[j for j in range(_NODES) if _ADJ[i, j] > 0] for i in range(_NODES)]
_EXPCI = [np.concatenate([_EXPC[:, j * 128:(j + 1) * 128] for j in _NBRS[i]], axis=1)
          for i in range(_NODES)]
_E13 = np.kron(np.eye(_NODES, dtype=np.float32), np.ones((1, 128), np.float32))
_ONE128 = np.ascontiguousarray(_E13.T) / 128.0


def _pe_gather(table, idx_flat):
    info = plsc.get_sparse_core_info()
    nw = info.num_cores * info.num_subcores
    n = idx_flat.shape[0]
    b_per_w = n // nw
    d = table.shape[1]
    mesh = plsc.VectorSubcoreMesh(core_axis_name="c", subcore_axis_name="s")

    @functools.partial(
        pl.kernel, mesh=mesh,
        out_type=jax.ShapeDtypeStruct((n, d), jnp.float32),
        scratch_types=[
            pltpu.VMEM((b_per_w,), jnp.int32),
            pltpu.VMEM((b_per_w, d), jnp.float32),
            pltpu.SemaphoreType.DMA,
        ],
    )
    def k(table_hbm, idx_hbm, out_hbm, idx_v, rows_v, sem):
        wid = jax.lax.axis_index("s") * info.num_cores + jax.lax.axis_index("c")
        base = wid * b_per_w
        pltpu.sync_copy(idx_hbm.at[pl.ds(base, b_per_w)], idx_v)
        pltpu.async_copy(table_hbm.at[idx_v], rows_v, sem).wait()
        pltpu.sync_copy(rows_v, out_hbm.at[pl.ds(base, b_per_w)])

    return k(table, idx_flat)


def _fold_lin_bn(lin, bn):
    s = bn["gamma"] * jax.lax.rsqrt(bn["var"] + 1e-5)
    w = lin["w"].T * s[None, :]
    b = (lin["b"] - bn["mean"]) * s + bn["beta"]
    return w, b[None, :]


def _bn_fold(bn):
    s = bn["gamma"] * jax.lax.rsqrt(bn["var"] + 1e-5)
    c = bn["beta"] - bn["mean"] * s
    return s[None, :], c[None, :]


def _ln_in(v, g, b):
    m = v.mean(-1, keepdims=True)
    var = ((v - m) ** 2).mean(-1, keepdims=True)
    return (v - m) * jax.lax.rsqrt(var + 1e-5) * g + b


def _erf(x):
    ax = jnp.abs(x)
    t = 1.0 / (1.0 + 0.3275911 * ax)
    poly = t * (0.254829592 + t * (-0.284496736 + t * (1.421413741 + t * (-1.453152027 + t * 1.061405429))))
    y = 1.0 - poly * jnp.exp(-ax * ax)
    return jnp.sign(x) * y


def _gelu_exact(x):
    return 0.5 * x * (1.0 + _erf(x * 0.7071067811865476))


def _attn_agg(hb, asdB, srcdst, dstexp, red, maskp, expcis):
    asd = jnp.dot(hb, asdB, preferred_element_type=jnp.float32)
    e = jnp.dot(asd, srcdst, preferred_element_type=jnp.float32)
    e = jnp.where(e >= 0, e, 0.2 * e)
    e = jnp.where(maskp > 0, e, -1e30)
    m = jnp.max(e, axis=-1, keepdims=True)
    ee = jnp.exp(e - m) * maskp
    den = jnp.dot(ee, red, preferred_element_type=jnp.float32)
    alpha = ee * jnp.dot(1.0 / (den + 1e-16), dstexp,
                         preferred_element_type=jnp.float32)
    parts = [None] * _NODES
    for i in range(_NODES):
        aexp = jnp.dot(alpha[:, i * _S:(i + 1) * _S], expcis[i],
                       preferred_element_type=jnp.float32)
        hs = hb[:, i * 128:(i + 1) * 128]
        for k, j in enumerate(_NBRS[i]):
            c = aexp[:, k * 128:(k + 1) * 128] * hs
            parts[j] = c if parts[j] is None else parts[j] + c
    return jnp.concatenate(parts, axis=1)


def _ln_big(v, one128, e13, gtile, btile):
    m13 = jnp.dot(v, one128, preferred_element_type=jnp.float32)
    d = v - jnp.dot(m13, e13, preferred_element_type=jnp.float32)
    v13 = jnp.dot(d * d, one128, preferred_element_type=jnp.float32)
    rstd = jax.lax.rsqrt(v13 + 1e-5)
    return d * jnp.dot(rstd, e13, preferred_element_type=jnp.float32) * gtile + btile


def _k1_body(x_ref, pos_ref, static_ref,
             wraw_ref, braw_ref, wstat_ref, bstat_ref,
             w0col_ref, w0pos_ref, pw0_ref, wppos_ref, pb_ref,
             asd0_ref, bias0_ref, ln0g_ref, ln0b_ref,
             w1t_ref, asd1_ref, bias1_ref, ln1g_ref, ln1b_ref,
             wg_ref, bg_ref,
             srcdst_ref, dstexp_ref, red_ref, maskp_ref,
             one128_ref, e13_ref,
             *rest):
    expci = [r[...] for r in rest[:_NODES]]
    fused_out_ref, stat_out_ref = rest[_NODES], rest[_NODES + 1]
    g = _BBLK * _T
    xb = x_ref[...].reshape(g, _DYN)
    posb = pos_ref[...].reshape(g, _POS)
    srcdst, dstexp, red = srcdst_ref[...], dstexp_ref[...], red_ref[...]
    maskp = maskp_ref[...]
    one128, e13 = one128_ref[...], e13_ref[...]

    p0 = jnp.dot(posb, w0pos_ref[...], preferred_element_type=jnp.float32)
    w0col = w0col_ref[...]
    hbig = jnp.concatenate([xb[:, n:n + 1] * w0col + p0 for n in range(_NODES)], axis=1)
    rp = jnp.dot(posb, wppos_ref[...], preferred_element_type=jnp.float32) + pb_ref[...]
    pw0 = pw0_ref[...]
    resbig = jnp.concatenate([xb[:, n:n + 1] * pw0 + rp for n in range(_NODES)], axis=1)

    agg0 = _attn_agg(hbig, asd0_ref[...], srcdst, dstexp, red, maskp, expci)
    agg0 = agg0 + bias0_ref[...]
    h1 = jax.nn.relu(_ln_big(agg0, one128, e13, ln0g_ref[...], ln0b_ref[...]) + resbig)

    w1t = w1t_ref[...]
    h14 = jnp.concatenate(
        [jnp.dot(h1[:, n * 128:(n + 1) * 128], w1t, preferred_element_type=jnp.float32)
         for n in range(_NODES)], axis=1)
    agg1 = _attn_agg(h14, asd1_ref[...], srcdst, dstexp, red, maskp, expci)
    agg1 = agg1 + bias1_ref[...]
    h2 = jax.nn.relu(_ln_big(agg1, one128, e13, ln1g_ref[...], ln1b_ref[...]) + h1)

    gat_seq = h2[:, 0:128]
    for n in range(1, _NODES):
        gat_seq = gat_seq + h2[:, n * 128:(n + 1) * 128]
    gat_seq = gat_seq * (1.0 / _NODES)

    raw = jnp.dot(xb, wraw_ref[...], preferred_element_type=jnp.float32) + braw_ref[...]
    raw = _gelu_exact(raw)
    ff = jnp.concatenate([raw, gat_seq], axis=-1)
    gate = jax.nn.sigmoid(jnp.dot(ff, wg_ref[...], preferred_element_type=jnp.float32) + bg_ref[...])
    fused = gate * ff
    fused_out_ref[...] = fused.reshape(_BBLK, _T, 256).transpose(1, 0, 2)

    st = jnp.dot(static_ref[...], wstat_ref[...], preferred_element_type=jnp.float32) + bstat_ref[...]
    stat_out_ref[...] = jnp.where(st >= 0, st, 0.01 * st)


def _gru_step(xt, h, wih, whh, bih, bhh):
    gi = jnp.dot(xt, wih, preferred_element_type=jnp.float32) + bih
    gh = jnp.dot(h, whh, preferred_element_type=jnp.float32) + bhh
    r = jax.nn.sigmoid(gi[:, :_HID] + gh[:, :_HID])
    z = jax.nn.sigmoid(gi[:, _HID:2 * _HID] + gh[:, _HID:2 * _HID])
    n = jnp.tanh(gi[:, 2 * _HID:] + r * gh[:, 2 * _HID:])
    return (1.0 - z) * n + z * h


def _k2_body(fused_f_ref, fused_b_ref, stat_ref,
             wih_f_ref, whh_f_ref, bih_f_ref, bhh_f_ref,
             wih_b_ref, whh_b_ref, bih_b_ref, bhh_b_ref,
             f1_ref, b1_ref, hf_scr, hb_scr):
    t = pl.program_id(0)

    @pl.when(t == 0)
    def _():
        hf_scr[...] = jnp.zeros_like(hf_scr)
        hb_scr[...] = jnp.zeros_like(hb_scr)

    stat = stat_ref[...]
    xf = jnp.concatenate([fused_f_ref[0], stat], axis=-1)
    hf = _gru_step(xf, hf_scr[...], wih_f_ref[...], whh_f_ref[...], bih_f_ref[...], bhh_f_ref[...])
    hf_scr[...] = hf
    f1_ref[0] = hf

    xb = jnp.concatenate([fused_b_ref[0], stat], axis=-1)
    hb = _gru_step(xb, hb_scr[...], wih_b_ref[...], whh_b_ref[...], bih_b_ref[...], bhh_b_ref[...])
    hb_scr[...] = hb
    b1_ref[0] = hb


def _k3_body(f1_ref, b1_ref, f1last_ref, b1last_ref,
             wih_f_ref, whh_f_ref, bih_f_ref, bhh_f_ref,
             wih_b_ref, whh_b_ref, bih_b_ref, bhh_b_ref,
             lng_ref, lnb_ref, rbn_s_ref, rbn_c_ref,
             wres_ref, bres_ref, wsh_ref, bsh_ref,
             obn_s_ref, obn_c_ref, wout_ref, bout_ref,
             o_ref, hf_scr, hb_scr):
    t = pl.program_id(0)

    @pl.when(t == 0)
    def _():
        hf_scr[...] = jnp.zeros_like(hf_scr)
        xlast = jnp.concatenate([f1last_ref[0], b1last_ref[0]], axis=-1)
        gi = jnp.dot(xlast, wih_b_ref[...], preferred_element_type=jnp.float32) + bih_b_ref[...]
        bhh = bhh_b_ref[...]
        r = jax.nn.sigmoid(gi[:, :_HID] + bhh[:, :_HID])
        z = jax.nn.sigmoid(gi[:, _HID:2 * _HID] + bhh[:, _HID:2 * _HID])
        n = jnp.tanh(gi[:, 2 * _HID:] + r * bhh[:, 2 * _HID:])
        hb_scr[...] = (1.0 - z) * n

    xt = jnp.concatenate([f1_ref[0], b1_ref[0]], axis=-1)
    hf = _gru_step(xt, hf_scr[...], wih_f_ref[...], whh_f_ref[...], bih_f_ref[...], bhh_f_ref[...])
    hf_scr[...] = hf

    @pl.when(t == _T - 1)
    def _():
        feat = jnp.concatenate([hf, hb_scr[...]], axis=-1)
        feat = _ln_in(feat, lng_ref[...], lnb_ref[...])
        v = feat * rbn_s_ref[...] + rbn_c_ref[...]
        v = jax.nn.relu(v)
        o1 = (jnp.dot(v, wres_ref[...], preferred_element_type=jnp.float32) + bres_ref[...]
              + jnp.dot(feat, wsh_ref[...], preferred_element_type=jnp.float32) + bsh_ref[...])
        o1 = o1 * obn_s_ref[...] + obn_c_ref[...]
        o1 = jnp.where(o1 >= 0, o1, 0.01 * o1)
        o_ref[...] = jnp.dot(o1, wout_ref[...], preferred_element_type=jnp.float32) + bout_ref[...]


def _full(shape):
    nd = len(shape)
    return pl.BlockSpec(shape, lambda *a: (0,) * nd)


def kernel(x, time_steps, static, params):
    wraw, braw = _fold_lin_bn(params["raw_proj"]["lin"], params["raw_proj"]["bn"])
    wstat, bstat = _fold_lin_bn(params["static_net"]["lin"], params["static_net"]["bn"])

    g0 = params["gat"][0]
    w0 = g0["lin_w"]
    w0col = w0[:, 0][None, :]
    w0pos = w0[:, 1:].T
    pw = g0["proj"]["w"]
    pw0 = pw[:, 0][None, :]
    wppos = pw[:, 1:].T
    pb = g0["proj"]["b"][None, :]
    g1 = params["gat"][1]

    def _att_big(att):
        a1 = (jnp.eye(_HEADS, dtype=jnp.float32)[:, None, :] * att[:, :, None]).reshape(128, _HEADS)
        return jnp.kron(jnp.eye(_NODES, dtype=jnp.float32), a1)

    def _tile13(v):
        return jnp.tile(v, _NODES)[None, :]

    wg = params["fusion_gate"]["w"].T
    bg = params["fusion_gate"]["b"][None, :]

    gru1f, gru1b = params["gru"][0]
    gru2f, gru2b = params["gru"][1]

    lng = params["gru_norm"]["gamma"][None, :]
    lnb = params["gru_norm"]["beta"][None, :]
    rbn_s, rbn_c = _bn_fold(params["res"]["bn"])
    wres = params["res"]["lin"]["w"].T
    bres = params["res"]["lin"]["b"][None, :]
    wsh = params["res"]["short"]["w"].T
    bsh = params["res"]["short"]["b"][None, :]
    obn_s, obn_c = _bn_fold(params["out_bn"])
    wout = params["out_lin"]["w"].T
    bout = params["out_lin"]["b"][None, :]

    idx = time_steps.reshape(-1).astype(jnp.int32)
    pe_pad = jnp.zeros((_PE.shape[0], 128), jnp.float32).at[:, :_POS].set(jnp.asarray(_PE))
    pos = _pe_gather(pe_pad, idx)[:, :_POS].reshape(_B, _T, _POS)

    nblk = _B // _BBLK
    k1_w = [wraw, braw, wstat, bstat,
            w0col, w0pos, pw0, wppos, pb,
            jnp.concatenate([_att_big(g0["att_src"]), _att_big(g0["att_dst"])], axis=1),
            _tile13(g0["bias"]), _tile13(g0["ln"]["gamma"]), _tile13(g0["ln"]["beta"]),
            g1["lin_w"].T,
            jnp.concatenate([_att_big(g1["att_src"]), _att_big(g1["att_dst"])], axis=1),
            _tile13(g1["bias"]), _tile13(g1["ln"]["gamma"]), _tile13(g1["ln"]["beta"]),
            wg, bg,
            jnp.asarray(_SRCDST), jnp.asarray(_DST_EXP), jnp.asarray(_RED),
            jnp.asarray(_MASKP),
            jnp.asarray(_ONE128), jnp.asarray(_E13)] + [jnp.asarray(m) for m in _EXPCI]
    fused, statf = pl.pallas_call(
        _k1_body,
        grid=(nblk,),
        in_specs=[
            pl.BlockSpec((_BBLK, _T, _DYN), lambda i: (i, 0, 0)),
            pl.BlockSpec((_BBLK, _T, _POS), lambda i: (i, 0, 0)),
            pl.BlockSpec((_BBLK, _STAT), lambda i: (i, 0)),
        ] + [_full(w.shape) for w in k1_w],
        out_specs=[
            pl.BlockSpec((_T, _BBLK, 256), lambda i: (0, i, 0)),
            pl.BlockSpec((_BBLK, 64), lambda i: (i, 0)),
        ],
        out_shape=[
            jax.ShapeDtypeStruct((_T, _B, 256), jnp.float32),
            jax.ShapeDtypeStruct((_B, 64), jnp.float32),
        ],
        compiler_params=pltpu.CompilerParams(dimension_semantics=("arbitrary",)),
    )(x, pos, static, *k1_w)

    k2_w = [gru1f["w_ih"].T, gru1f["w_hh"].T, gru1f["b_ih"][None, :], gru1f["b_hh"][None, :],
            gru1b["w_ih"].T, gru1b["w_hh"].T, gru1b["b_ih"][None, :], gru1b["b_hh"][None, :]]
    f1, b1 = pl.pallas_call(
        _k2_body,
        grid=(_T,),
        in_specs=[
            pl.BlockSpec((1, _B, 256), lambda t: (t, 0, 0)),
            pl.BlockSpec((1, _B, 256), lambda t: (_T - 1 - t, 0, 0)),
            _full((_B, 64)),
        ] + [_full(w.shape) for w in k2_w],
        out_specs=[
            pl.BlockSpec((1, _B, _HID), lambda t: (t, 0, 0)),
            pl.BlockSpec((1, _B, _HID), lambda t: (_T - 1 - t, 0, 0)),
        ],
        out_shape=[
            jax.ShapeDtypeStruct((_T, _B, _HID), jnp.float32),
            jax.ShapeDtypeStruct((_T, _B, _HID), jnp.float32),
        ],
        scratch_shapes=[pltpu.VMEM((_B, _HID), jnp.float32)] * 2,
        compiler_params=pltpu.CompilerParams(dimension_semantics=("arbitrary",)),
    )(fused, fused, statf, *k2_w)

    k3_w = [gru2f["w_ih"].T, gru2f["w_hh"].T, gru2f["b_ih"][None, :], gru2f["b_hh"][None, :],
            gru2b["w_ih"].T, gru2b["w_hh"].T, gru2b["b_ih"][None, :], gru2b["b_hh"][None, :],
            lng, lnb, rbn_s, rbn_c, wres, bres, wsh, bsh, obn_s, obn_c, wout, bout]
    o = pl.pallas_call(
        _k3_body,
        grid=(_T,),
        in_specs=[
            pl.BlockSpec((1, _B, _HID), lambda t: (t, 0, 0)),
            pl.BlockSpec((1, _B, _HID), lambda t: (t, 0, 0)),
            pl.BlockSpec((1, _B, _HID), lambda t: (_T - 1, 0, 0)),
            pl.BlockSpec((1, _B, _HID), lambda t: (_T - 1, 0, 0)),
        ] + [_full(w.shape) for w in k3_w],
        out_specs=pl.BlockSpec((_B, _DYN), lambda t: (0, 0)),
        out_shape=jax.ShapeDtypeStruct((_B, _DYN), jnp.float32),
        scratch_shapes=[pltpu.VMEM((_B, _HID), jnp.float32)] * 2,
        compiler_params=pltpu.CompilerParams(dimension_semantics=("arbitrary",)),
    )(f1, b1, f1, b1, *k3_w)

    return o.reshape(_B, 1, _NODES)

# --- scband reference (transcript-rebuilt; emitter-appended) ---
"""Pipeline reference for scband-time-series-model-16681652978332 (READ-ONLY COPY).

The authoritative reference and input builder live on the scoring server;
editing this copy changes nothing except your own understanding.
"""

import jax, jax.numpy as jnp
import numpy as np
import math

PHYSIO = [(0, 7), (0, 10), (0, 6), (0, 4), (0, 8), (0, 11), (1, 7), (2, 9), (3, 4), (4, 10), (5, 6), (6, 10), (8, 9), (8, 10), (10, 11), (11, 12)]
B, T, DYN, STAT, POS, NODES = 512, 32, 13, 7, 32, 13
GAT_H, HEADS = 32, 4
HID = 256
N_OUT = 1


def _edge_index():
    e = []
    for u, v in PHYSIO:
        e.append([u, v])
        e.append([v, u])
    return np.array(e, dtype=np.int32).T


def _pe_table(d_model=POS, max_len=5000):
    pos = np.arange(max_len, dtype=np.float32)[:, None]
    div = np.exp(np.arange(0, d_model, 2).astype(np.float32) * (-math.log(10000.0) / d_model))
    pe = np.zeros((max_len, d_model), np.float32)
    pe[:, 0::2] = np.sin(pos * div)
    pe[:, 1::2] = np.cos(pos * div)
    return jnp.asarray(pe)


def _lin_p(k, i, o):
    s = 1.0 / np.sqrt(i)
    k1, k2 = jax.random.split(k)
    return {"w": jax.random.uniform(k1, (o, i), jnp.float32, -s, s), "b": jax.random.uniform(k2, (o,), jnp.float32, -s, s)}


def _bn_p(d):
    return {"gamma": jnp.ones((d,), jnp.float32), "beta": jnp.zeros((d,), jnp.float32), "mean": jnp.zeros((d,), jnp.float32), "var": jnp.ones((d,), jnp.float32)}


def _ln_p(d):
    return {"gamma": jnp.ones((d,), jnp.float32), "beta": jnp.zeros((d,), jnp.float32)}


def make_params(key):
    ks = iter(jax.random.split(key, 64))
    params = {}
    params["raw_proj"] = {"lin": _lin_p(next(ks), DYN, 128), "bn": _bn_p(128)}
    params["static_net"] = {"lin": _lin_p(next(ks), STAT, 64), "bn": _bn_p(64)}
    gat = []
    in_ch = 1 + POS
    out_ch = GAT_H * HEADS
    for i in range(2):
        layer = {"lin_w": jax.random.normal(next(ks), (out_ch, in_ch), jnp.float32) / np.sqrt(in_ch), "att_src": jax.random.normal(next(ks), (HEADS, GAT_H), jnp.float32) * 0.1, "att_dst": jax.random.normal(next(ks), (HEADS, GAT_H), jnp.float32) * 0.1, "bias": jnp.zeros((out_ch,), jnp.float32), "ln": _ln_p(out_ch)}
        if in_ch != out_ch:
            layer["proj"] = _lin_p(next(ks), in_ch, out_ch)
        gat.append(layer)
        in_ch = out_ch
    params["gat"] = gat
    params["fusion_gate"] = _lin_p(next(ks), 256, 256)
    gru = []
    inp = 320
    for l in range(2):
        dirs = []
        for d in range(2):
            s = 1.0 / np.sqrt(HID)
            k1, k2, k3, k4 = jax.random.split(next(ks), 4)
            dirs.append({"w_ih": jax.random.uniform(k1, (3 * HID, inp), jnp.float32, -s, s), "w_hh": jax.random.uniform(k2, (3 * HID, HID), jnp.float32, -s, s), "b_ih": jax.random.uniform(k3, (3 * HID,), jnp.float32, -s, s), "b_hh": jax.random.uniform(k4, (3 * HID,), jnp.float32, -s, s)})
        gru.append(dirs)
        inp = 2 * HID
    params["gru"] = gru
    params["gru_norm"] = _ln_p(512)
    params["res"] = {"bn": _bn_p(512), "lin": _lin_p(next(ks), 512, 128), "short": _lin_p(next(ks), 512, 128)}
    params["out_bn"] = _bn_p(128)
    params["out_lin"] = _lin_p(next(ks), 128, DYN * N_OUT)
    return params


def setup_inputs(seed: int = 0):
    key = jax.random.key(seed)
    kx, kt, ks2, kp = jax.random.split(key, 4)
    return {"x": jax.random.normal(kx, (B, T, DYN), jnp.float32), "time_steps": jax.random.randint(kt, (B, T), 0, 5000), "static": jax.random.normal(ks2, (B, STAT), jnp.float32), "params": make_params(kp)}


def _linear(p, x):
    return x @ p["w"].T + p["b"]


def _bn(p, x):
    return (x - p["mean"]) / jnp.sqrt(p["var"] + 1e-5) * p["gamma"] + p["beta"]


def _ln(p, x):
    m = x.mean(-1, keepdims=True)
    v = ((x - m) ** 2).mean(-1, keepdims=True)
    return (x - m) / jnp.sqrt(v + 1e-5) * p["gamma"] + p["beta"]


def _gat_conv(layer, x, src, dst, n):
    h = (x @ layer["lin_w"].T).reshape(n, HEADS, GAT_H)
    a_src = (h * layer["att_src"][None]).sum(-1)
    a_dst = (h * layer["att_dst"][None]).sum(-1)
    e = jax.nn.leaky_relu(a_src[src] + a_dst[dst], 0.2)
    emax = jax.lax.stop_gradient(jax.ops.segment_max(e, dst, num_segments=n))
    ee = jnp.exp(e - emax[dst])
    denom = jax.ops.segment_sum(ee, dst, num_segments=n)
    alpha = ee / (denom[dst] + 1e-16)
    msg = h[src] * alpha[:, :, None]
    out = jax.ops.segment_sum(msg, dst, num_segments=n)
    return out.reshape(n, HEADS * GAT_H) + layer["bias"]


def _gru_dir(p, seq, reverse):
    def step(h, xt):
        gi = xt @ p["w_ih"].T + p["b_ih"]
        gh = h @ p["w_hh"].T + p["b_hh"]
        i_r, i_z, i_n = jnp.split(gi, 3, axis=-1)
        h_r, h_z, h_n = jnp.split(gh, 3, axis=-1)
        r = jax.nn.sigmoid(i_r + h_r)
        z = jax.nn.sigmoid(i_z + h_z)
        ng = jnp.tanh(i_n + r * h_n)
        h2 = (1.0 - z) * ng + z * h
        return h2, h2
    h0 = jnp.zeros((seq.shape[1], HID), seq.dtype)
    xs = seq[::-1] if reverse else seq
    _, out = jax.lax.scan(step, h0, xs)
    return out[::-1] if reverse else out


def _forward(x, time_steps, static, params):
    Bs, Ts, _ = x.shape
    pe = _pe_table()
    raw = jax.nn.gelu(_bn(params["raw_proj"]["bn"], _linear(params["raw_proj"]["lin"], x.reshape(-1, DYN))), approximate=False).reshape(Bs, Ts, 128)
    pos = pe[time_steps]
    stat = jax.nn.leaky_relu(_bn(params["static_net"]["bn"], _linear(params["static_net"]["lin"], static)), 0.01)
    node_feat = jnp.concatenate([x[..., None], jnp.broadcast_to(pos[:, :, None, :], (Bs, Ts, NODES, POS))], axis=-1)
    G = Bs * Ts
    n = G * NODES
    ei = jnp.asarray(_edge_index())
    offs = jnp.arange(G, dtype=jnp.int32) * NODES
    src = (ei[0][None, :] + offs[:, None]).reshape(-1)
    dst = (ei[1][None, :] + offs[:, None]).reshape(-1)
    loops = jnp.arange(n, dtype=jnp.int32)
    src = jnp.concatenate([src, loops])
    dst = jnp.concatenate([dst, loops])
    h = node_feat.reshape(n, 1 + POS)
    for layer in params["gat"]:
        res = _linear(layer["proj"], h) if "proj" in layer else h
        out = _ln(layer["ln"], _gat_conv(layer, h, src, dst, n))
        h = jax.nn.relu(out + res)
    gat_seq = h.reshape(Bs, Ts, NODES, HEADS * GAT_H).mean(axis=2)
    fused_feat = jnp.concatenate([raw, gat_seq], axis=-1)
    gate = jax.nn.sigmoid(_linear(params["fusion_gate"], fused_feat))
    fused = gate * fused_feat
    stat_exp = jnp.broadcast_to(stat[:, None, :], (Bs, Ts, 64))
    seq = jnp.transpose(jnp.concatenate([fused, stat_exp], axis=-1), (1, 0, 2))
    for ld in params["gru"]:
        f = _gru_dir(ld[0], seq, False)
        bwd = _gru_dir(ld[1], seq, True)
        seq = jnp.concatenate([f, bwd], axis=-1)
    feat = _ln(params["gru_norm"], seq[-1])
    rb = params["res"]
    o = _linear(rb["lin"], jax.nn.relu(_bn(rb["bn"], feat))) + _linear(rb["short"], feat)
    o = jax.nn.leaky_relu(_bn(params["out_bn"], o), 0.01)
    o = _linear(params["out_lin"], o)
    return o.reshape(-1, N_OUT, NODES)


def reference(x, time_steps, static, params):
    return _forward(x, time_steps, static, params)

if __name__ == "__main__":
    import jax
    _d = setup_inputs()
    print(jax.jit(kernel)(*tuple(_d.values())))

</pallas_src>

<mosaic_0001>
#map = affine_map<(d0, d1) -> (0, 0)>
#map1 = affine_map<(d0, d1) -> (0)>
module attributes {stable_mosaic.version = 14 : i64} {
  func.func @k(%arg0: i32, %arg1: i32, %arg2: memref<5000x128xf32, #tpu.memory_space<hbm>>, %arg3: memref<16384xi32, #tpu.memory_space<hbm>>, %arg4: memref<16384x128xf32, #tpu.memory_space<hbm>>, %arg5: memref<512xi32, #tpu.memory_space<vmem>>, %arg6: memref<512x128xf32, #tpu.memory_space<vmem>>, %arg7: memref<!tpu.dma_semaphore, #tpu.memory_space<semaphore_mem>>) attributes {dimension_semantics = [#tpu.dimension_semantics<core_parallel>, #tpu.dimension_semantics<subcore_parallel>], iteration_bounds = array<i64: 2, 16>, scalar_prefetch = 0 : i64, scratch_operands = 3 : i64, tpu.core_type = #tpu.core_type<sc_vector_subcore>, window_params = [{transform_indices = #map}, {transform_indices = #map1}, {transform_indices = #map}]} {
    %mul3A = arith.constant 2 : i32
    %mul3A_0 = arith.muli %arg1, %mul3A : i32
    %add3A = arith.addi %mul3A_0, %arg0 : i32
    %mul3A_1 = arith.constant 512 : i32
    %mul3A_2 = arith.muli %add3A, %mul3A_1 : i32
    "tpu.region"() ({
      %run_scoped3A = tpu.sem_alloc : memref<!tpu.dma_semaphore, #tpu.memory_space<semaphore_mem>>
      %dma_start3A_7 = tpu.memref_slice %arg3[%mul3A_2] : memref<16384xi32, #tpu.memory_space<hbm>> -> memref<512xi32, #tpu.memory_space<hbm>>
      %dma_start3A_8 = tpu.memref_slice %arg3[%mul3A_2] : memref<16384xi32, #tpu.memory_space<hbm>> -> memref<512xi32, #tpu.memory_space<hbm>>
      tpu.enqueue_dma source(%dma_start3A_8 : memref<512xi32, #tpu.memory_space<hbm>>) target(%arg5 : memref<512xi32, #tpu.memory_space<vmem>>) target_semaphore(%run_scoped3A : memref<!tpu.dma_semaphore, #tpu.memory_space<semaphore_mem>>)
      %dma_wait3A_9 = tpu.memref_slice %arg3[%mul3A_2] : memref<16384xi32, #tpu.memory_space<hbm>> -> memref<512xi32, #tpu.memory_space<hbm>>
      %dma_wait3A_10 = tpu.memref_slice %arg3[%mul3A_2] : memref<16384xi32, #tpu.memory_space<hbm>> -> memref<512xi32, #tpu.memory_space<hbm>>
      tpu.wait_dma2 semaphore(%run_scoped3A : memref<!tpu.dma_semaphore, #tpu.memory_space<semaphore_mem>>) src(%dma_wait3A_10 : memref<512xi32, #tpu.memory_space<hbm>>) dst(%arg5 : memref<512xi32, #tpu.memory_space<vmem>>)
      tpu.yield
    }) : () -> ()
    %dma_start3A = arith.constant 0 : i32
    %dma_start3A_3 = arith.constant 0 : i32
    %dma_start3A_4 = tpu.memref_slice %arg2[%dma_start3A, %dma_start3A_3] : memref<5000x128xf32, #tpu.memory_space<hbm>> -> memref<5000x128xf32, #tpu.memory_space<hbm>>
    tpu.enqueue_indirect_dma source(%dma_start3A_4 : memref<5000x128xf32, #tpu.memory_space<hbm>>) target(%arg6 : memref<512x128xf32, #tpu.memory_space<vmem>>) offsets(%arg5 : memref<512xi32, #tpu.memory_space<vmem>>) semaphore(%arg7 : memref<!tpu.dma_semaphore, #tpu.memory_space<semaphore_mem>>)
    %dma_wait3A = arith.constant 0 : i32
    %dma_wait3A_5 = arith.constant 0 : i32
    %dma_wait3A_6 = tpu.memref_slice %arg2[%dma_wait3A, %dma_wait3A_5] : memref<5000x128xf32, #tpu.memory_space<hbm>> -> memref<5000x128xf32, #tpu.memory_space<hbm>>
    tpu.wait_indirect_dma semaphore(%arg7 : memref<!tpu.dma_semaphore, #tpu.memory_space<semaphore_mem>>) src(%dma_wait3A_6 : memref<5000x128xf32, #tpu.memory_space<hbm>>) dst(%arg6 : memref<512x128xf32, #tpu.memory_space<vmem>>)
    "tpu.region"() ({
      %run_scoped3A = tpu.sem_alloc : memref<!tpu.dma_semaphore, #tpu.memory_space<semaphore_mem>>
      %dma_start3A_7 = arith.constant 0 : i32
      %dma_start3A_8 = tpu.memref_slice %arg4[%mul3A_2, %dma_start3A_7] : memref<16384x128xf32, #tpu.memory_space<hbm>> -> memref<512x128xf32, #tpu.memory_space<hbm>>
      %dma_start3A_9 = arith.constant 0 : i32
      %dma_start3A_10 = tpu.memref_slice %arg4[%mul3A_2, %dma_start3A_9] : memref<16384x128xf32, #tpu.memory_space<hbm>> -> memref<512x128xf32, #tpu.memory_space<hbm>>
      tpu.enqueue_dma source(%arg6 : memref<512x128xf32, #tpu.memory_space<vmem>>) target(%dma_start3A_10 : memref<512x128xf32, #tpu.memory_space<hbm>>) target_semaphore(%run_scoped3A : memref<!tpu.dma_semaphore, #tpu.memory_space<semaphore_mem>>)
      %dma_wait3A_11 = arith.constant 0 : i32
      %dma_wait3A_12 = tpu.memref_slice %arg4[%mul3A_2, %dma_wait3A_11] : memref<16384x128xf32, #tpu.memory_space<hbm>> -> memref<512x128xf32, #tpu.memory_space<hbm>>
      %dma_wait3A_13 = arith.constant 0 : i32
      %dma_wait3A_14 = tpu.memref_slice %arg4[%mul3A_2, %dma_wait3A_13] : memref<16384x128xf32, #tpu.memory_space<hbm>> -> memref<512x128xf32, #tpu.memory_space<hbm>>
      tpu.wait_dma2 semaphore(%run_scoped3A : memref<!tpu.dma_semaphore, #tpu.memory_space<semaphore_mem>>) src(%arg6 : memref<512x128xf32, #tpu.memory_space<vmem>>) dst(%dma_wait3A_14 : memref<512x128xf32, #tpu.memory_space<hbm>>)
      tpu.yield
    }) : () -> ()
    return
  }
}

module attributes {stable_mosaic.version = 14 : i64} {
  func.func @_k1_body(%arg0: i32, %arg1: memref<32x32x13xf32, #tpu.memory_space<vmem>>, %arg2: memref<32x32x32xf32, #tpu.memory_space<vmem>>, %arg3: memref<32x7xf32, #tpu.memory_space<vmem>>, %arg4: memref<13x128xf32, #tpu.memory_space<vmem>>, %arg5: memref<1x128xf32, #tpu.memory_space<vmem>>, %arg6: memref<7x64xf32, #tpu.memory_space<vmem>>, %arg7: memref<1x64xf32, #tpu.memory_space<vmem>>, %arg8: memref<1x128xf32, #tpu.memory_space<vmem>>, %arg9: memref<32x128xf32, #tpu.memory_space<vmem>>, %arg10: memref<1x128xf32, #tpu.memory_space<vmem>>, %arg11: memref<32x128xf32, #tpu.memory_space<vmem>>, %arg12: memref<1x128xf32, #tpu.memory_space<vmem>>, %arg13: memref<1664x104xf32, #tpu.memory_space<vmem>>, %arg14: memref<1x1664xf32, #tpu.memory_space<vmem>>, %arg15: memref<1x1664xf32, #tpu.memory_space<vmem>>, %arg16: memref<1x1664xf32, #tpu.memory_space<vmem>>, %arg17: memref<128x128xf32, #tpu.memory_space<vmem>>, %arg18: memref<1664x104xf32, #tpu.memory_space<vmem>>, %arg19: memref<1x1664xf32, #tpu.memory_space<vmem>>, %arg20: memref<1x1664xf32, #tpu.memory_space<vmem>>, %arg21: memref<1x1664xf32, #tpu.memory_space<vmem>>, %arg22: memref<256x256xf32, #tpu.memory_space<vmem>>, %arg23: memref<1x256xf32, #tpu.memory_space<vmem>>, %arg24: memref<104x676xf32, #tpu.memory_space<vmem>>, %arg25: memref<52x676xf32, #tpu.memory_space<vmem>>, %arg26: memref<676x52xf32, #tpu.memory_space<vmem>>, %arg27: memref<1x676xf32, #tpu.memory_space<vmem>>, %arg28: memref<1664x13xf32, #tpu.memory_space<vmem>>, %arg29: memref<13x1664xf32, #tpu.memory_space<vmem>>, %arg30: memref<52x896xf32, #tpu.memory_space<vmem>>, %arg31: memref<52x256xf32, #tpu.memory_space<vmem>>, %arg32: memref<52x256xf32, #tpu.memory_space<vmem>>, %arg33: memref<52x256xf32, #tpu.memory_space<vmem>>, %arg34: memref<52x512xf32, #tpu.memory_space<vmem>>, %arg35: memref<52x256xf32, #tpu.memory_space<vmem>>, %arg36: memref<52x512xf32, #tpu.memory_space<vmem>>, %arg37: memref<52x384xf32, #tpu.memory_space<vmem>>, %arg38: memref<52x512xf32, #tpu.memory_space<vmem>>, %arg39: memref<52x384xf32, #tpu.memory_space<vmem>>, %arg40: memref<52x768xf32, #tpu.memory_space<vmem>>, %arg41: memref<52x512xf32, #tpu.memory_space<vmem>>, %arg42: memref<52x256xf32, #tpu.memory_space<vmem>>, %arg43: memref<32x32x256xf32, #tpu.memory_space<vmem>>, %arg44: memref<32x64xf32, #tpu.memory_space<vmem>>) attributes {dimension_semantics = [#tpu.dimension_semantics<arbitrary>], iteration_bounds = array<i64: 16>, scalar_prefetch = 0 : i64, scratch_operands = 0 : i64, tpu.core_type = #tpu.core_type<tc>, window_params = [{transform_indices = @transform_0, window_bounds = array<i64: 32, 32, 13>}, {transform_indices = @transform_1, window_bounds = array<i64: 32, 32, 32>}, {transform_indices = @transform_2, window_bounds = array<i64: 32, 7>}, {pipeline_mode = #tpu.pipeline_mode<synchronous>, transform_indices = @transform_3, window_bounds = array<i64: 13, 128>}, {pipeline_mode = #tpu.pipeline_mode<synchronous>, transform_indices = @transform_4, window_bounds = array<i64: 1, 128>}, {pipeline_mode = #tpu.pipeline_mode<synchronous>, transform_indices = @transform_5, window_bounds = array<i64: 7, 64>}, {pipeline_mode = #tpu.pipeline_mode<synchronous>, transform_indices = @transform_6, window_bounds = array<i64: 1, 64>}, {pipeline_mode = #tpu.pipeline_mode<synchronous>, transform_indices = @transform_7, window_bounds = array<i64: 1, 128>}, {pipeline_mode = #tpu.pipeline_mode<synchronous>, transform_indices = @transform_8, window_bounds = array<i64: 32, 128>}, {pipeline_mode = #tpu.pipeline_mode<synchronous>, transform_indices = @transform_9, window_bounds = array<i64: 1, 128>}, {pipeline_mode = #tpu.pipeline_mode<synchronous>, transform_indices = @transform_10, window_bounds = array<i64: 32, 128>}, {pipeline_mode = #tpu.pipeline_mode<synchronous>, transform_indices = @transform_11, window_bounds = array<i64: 1, 128>}, {pipeline_mode = #tpu.pipeline_mode<synchronous>, transform_indices = @transform_12, window_bounds = array<i64: 1664, 104>}, {pipeline_mode = #tpu.pipeline_mode<synchronous>, transform_indices = @transform_13, window_bounds = array<i64: 1, 1664>}, {pipeline_mode = #tpu.pipeline_mode<synchronous>, transform_indices = @transform_14, window_bounds = array<i64: 1, 1664>}, {pipeline_mode = #tpu.pipeline_mode<synchronous>, transform_indices = @transform_15, window_bounds = array<i64: 1, 1664>}, {pipeline_mode = #tpu.pipeline_mode<synchronous>, transform_indices = @transform_16, window_bounds = array<i64: 128, 128>}, {pipeline_mode = #tpu.pipeline_mode<synchronous>, transform_indices = @transform_17, window_bounds = array<i64: 1664, 104>}, {pipeline_mode = #tpu.pipeline_mode<synchronous>, transform_indices = @transform_18, window_bounds = array<i64: 1, 1664>}, {pipeline_mode = #tpu.pipeline_mode<synchronous>, transform_indices = @transform_19, window_bounds = array<i64: 1, 1664>}, {pipeline_mode = #tpu.pipeline_mode<synchronous>, transform_indices = @transform_20, window_bounds = array<i64: 1, 1664>}, {pipeline_mode = #tpu.pipeline_mode<synchronous>, transform_indices = @transform_21, window_bounds = array<i64: 256, 256>}, {pipeline_mode = #tpu.pipeline_mode<synchronous>, transform_indices = @transform_22, window_bounds = array<i64: 1, 256>}, {pipeline_mode = #tpu.pipeline_mode<synchronous>, transform_indices = @transform_23, window_bounds = array<i64: 104, 676>}, {pipeline_mode = #tpu.pipeline_mode<synchronous>, transform_indices = @transform_24, window_bounds = array<i64: 52, 676>}, {pipeline_mode = #tpu.pipeline_mode<synchronous>, transform_indices = @transform_25, window_bounds = array<i64: 676, 52>}, {pipeline_mode = #tpu.pipeline_mode<synchronous>, transform_indices = @transform_26, window_bounds = array<i64: 1, 676>}, {pipeline_mode = #tpu.pipeline_mode<synchronous>, transform_indices = @transform_27, window_bounds = array<i64: 1664, 13>}, {pipeline_mode = #tpu.pipeline_mode<synchronous>, transform_indices = @transform_28, window_bounds = array<i64: 13, 1664>}, {pipeline_mode = #tpu.pipeline_mode<synchronous>, transform_indices = @transform_29, window_bounds = array<i64: 52, 896>}, {pipeline_mode = #tpu.pipeline_mode<synchronous>, transform_indices = @transform_30, window_bounds = array<i64: 52, 256>}, {pipeline_mode = #tpu.pipeline_mode<synchronous>, transform_indices = @transform_31, window_bounds = array<i64: 52, 256>}, {pipeline_mode = #tpu.pipeline_mode<synchronous>, transform_indices = @transform_32, window_bounds = array<i64: 52, 256>}, {pipeline_mode = #tpu.pipeline_mode<synchronous>, transform_indices = @transform_33, window_bounds = array<i64: 52, 512>}, {pipeline_mode = #tpu.pipeline_mode<synchronous>, transform_indices = @transform_34, window_bounds = array<i64: 52, 256>}, {pipeline_mode = #tpu.pipeline_mode<synchronous>, transform_indices = @transform_35, window_bounds = array<i64: 52, 512>}, {pipeline_mode = #tpu.pipeline_mode<synchronous>, transform_indices = @transform_36, window_bounds = array<i64: 52, 384>}, {pipeline_mode = #tpu.pipeline_mode<synchronous>, transform_indices = @transform_37, window_bounds = array<i64: 52, 512>}, {pipeline_mode = #tpu.pipeline_mode<synchronous>, transform_indices = @transform_38, window_bounds = array<i64: 52, 384>}, {pipeline_mode = #tpu.pipeline_mode<synchronous>, transform_indices = @transform_39, window_bounds = array<i64: 52, 768>}, {pipeline_mode = #tpu.pipeline_mode<synchronous>, transform_indices = @transform_40, window_bounds = array<i64: 52, 512>}, {pipeline_mode = #tpu.pipeline_mode<synchronous>, transform_indices = @transform_41, window_bounds = array<i64: 52, 256>}, {transform_indices = @transform_42, window_bounds = array<i64: 32, 32, 256>}, {transform_indices = @transform_43, window_bounds = array<i64: 32, 64>}]} {
    %get3A = arith.constant 0 : index
    %get3A_0 = arith.constant 0 : index
    %get3A_1 = vector.load %arg30[%get3A, %get3A_0] : memref<52x896xf32, #tpu.memory_space<vmem>>, vector<52x896xf32>
    %get3A_2 = arith.constant 0 : index
    %get3A_3 = arith.constant 0 : index
    %get3A_4 = vector.load %arg31[%get3A_2, %get3A_3] : memref<52x256xf32, #tpu.memory_space<vmem>>, vector<52x256xf32>
    %get3A_5 = arith.constant 0 : index
    %get3A_6 = arith.constant 0 : index
    %get3A_7 = vector.load %arg32[%get3A_5, %get3A_6] : memref<52x256xf32, #tpu.memory_space<vmem>>, vector<52x256xf32>
    %get3A_8 = arith.constant 0 : index
    %get3A_9 = arith.constant 0 : index
    %get3A_10 = vector.load %arg33[%get3A_8, %get3A_9] : memref<52x256xf32, #tpu.memory_space<vmem>>, vector<52x256xf32>
    %get3A_11 = arith.constant 0 : index
    %get3A_12 = arith.constant 0 : index
    %get3A_13 = vector.load %arg34[%get3A_11, %get3A_12] : memref<52x512xf32, #tpu.memory_space<vmem>>, vector<52x512xf32>
    %get3A_14 = arith.constant 0 : index
    %get3A_15 = arith.constant 0 : index
    %get3A_16 = vector.load %arg35[%get3A_14, %get3A_15] : memref<52x256xf32, #tpu.memory_space<vmem>>, vector<52x256xf32>
    %get3A_17 = arith.constant 0 : index
    %get3A_18 = arith.constant 0 : index
    %get3A_19 = vector.load %arg36[%get3A_17, %get3A_18] : memref<52x512xf32, #tpu.memory_space<vmem>>, vector<52x512xf32>
    %get3A_20 = arith.constant 0 : index
    %get3A_21 = arith.constant 0 : index
    %get3A_22 = vector.load %arg37[%get3A_20, %get3A_21] : memref<52x384xf32, #tpu.memory_space<vmem>>, vector<52x384xf32>
    %get3A_23 = arith.constant 0 : index
    %get3A_24 = arith.constant 0 : index
    %get3A_25 = vector.load %arg38[%get3A_23, %get3A_24] : memref<52x512xf32, #tpu.memory_space<vmem>>, vector<52x512xf32>
    %get3A_26 = arith.constant 0 : index
    %get3A_27 = arith.constant 0 : index
    %get3A_28 = vector.load %arg39[%get3A_26, %get3A_27] : memref<52x384xf32, #tpu.memory_space<vmem>>, vector<52x384xf32>
    %get3A_29 = arith.constant 0 : index
    %get3A_30 = arith.constant 0 : index
    %get3A_31 = vector.load %arg40[%get3A_29, %get3A_30] : memref<52x768xf32, #tpu.memory_space<vmem>>, vector<52x768xf32>
    %get3A_32 = arith.constant 0 : index
    %get3A_33 = arith.constant 0 : index
    %get3A_34 = vector.load %arg41[%get3A_32, %get3A_33] : memref<52x512xf32, #tpu.memory_space<vmem>>, vector<52x512xf32>
    %get3A_35 = arith.constant 0 : index
    %get3A_36 = arith.constant 0 : index
    %get3A_37 = vector.load %arg42[%get3A_35, %get3A_36] : memref<52x256xf32, #tpu.memory_space<vmem>>, vector<52x256xf32>
    %get3A_38 = arith.constant 0 : index
    %get3A_39 = arith.constant 0 : index
    %get3A_40 = arith.constant 0 : index
    %get3A_41 = vector.load %arg1[%get3A_38, %get3A_39, %get3A_40] : memref<32x32x13xf32, #tpu.memory_space<vmem>>, vector<32x32x13xf32>
    %reshape3A = vector.shape_cast %get3A_41 : vector<32x32x13xf32> to vector<1024x13xf32>
    %get3A_42 = arith.constant 0 : index
    %get3A_43 = arith.constant 0 : index
    %get3A_44 = arith.constant 0 : index
    %get3A_45 = vector.load %arg2[%get3A_42, %get3A_43, %get3A_44] : memref<32x32x32xf32, #tpu.memory_space<vmem>>, vector<32x32x32xf32>
    %reshape3A_46 = vector.shape_cast %get3A_45 : vector<32x32x32xf32> to vector<1024x32xf32>
    %get3A_47 = arith.constant 0 : index
    %get3A_48 = arith.constant 0 : index
    %get3A_49 = vector.load %arg24[%get3A_47, %get3A_48] : memref<104x676xf32, #tpu.memory_space<vmem>>, vector<104x676xf32>
    %get3A_50 = arith.constant 0 : index
    %get3A_51 = arith.constant 0 : index
    %get3A_52 = vector.load %arg25[%get3A_50, %get3A_51] : memref<52x676xf32, #tpu.memory_space<vmem>>, vector<52x676xf32>
    %get3A_53 = arith.constant 0 : index
    %get3A_54 = arith.constant 0 : index
    %get3A_55 = vector.load %arg26[%get3A_53, %get3A_54] : memref<676x52xf32, #tpu.memory_space<vmem>>, vector<676x52xf32>
    %get3A_56 = arith.constant 0 : index
    %get3A_57 = arith.constant 0 : index
    %get3A_58 = vector.load %arg27[%get3A_56, %get3A_57] : memref<1x676xf32, #tpu.memory_space<vmem>>, vector<1x676xf32>
    %get3A_59 = arith.constant 0 : index
    %get3A_60 = arith.constant 0 : index
    %get3A_61 = vector.load %arg28[%get3A_59, %get3A_60] : memref<1664x13xf32, #tpu.memory_space<vmem>>, vector<1664x13xf32>
    %get3A_62 = arith.constant 0 : index
    %get3A_63 = arith.constant 0 : index
    %get3A_64 = vector.load %arg29[%get3A_62, %get3A_63] : memref<13x1664xf32, #tpu.memory_space<vmem>>, vector<13x1664xf32>
    %get3A_65 = arith.constant 0 : index
    %get3A_66 = arith.constant 0 : index
    %get3A_67 = vector.load %arg9[%get3A_65, %get3A_66] : memref<32x128xf32, #tpu.memory_space<vmem>>, vector<32x128xf32>
    %dot_general3A = arith.constant dense<0.000000e+00> : vector<1024x128xf32>
    %dot_general3A_68 = tpu.matmul %reshape3A_46, %get3A_67, %dot_general3A {dimension_numbers = #tpu.dot_dimension_numbers<[1], [0], [0], [1], [0, 0, 1, 1], [], []>, transpose_lhs_hint = false} : vector<1024x32xf32>, vector<32x128xf32>, vector<1024x128xf32> -> vector<1024x128xf32>
    %get3A_69 = arith.constant 0 : index
    %get3A_70 = arith.constant 0 : index
    %get3A_71 = vector.load %arg8[%get3A_69, %get3A_70] : memref<1x128xf32, #tpu.memory_space<vmem>>, vector<1x128xf32>
    %slice3A = vector.extract_strided_slice %reshape3A {offsets = [0, 0], sizes = [1024, 1], strides = [1, 1]} : vector<1024x13xf32> to vector<1024x1xf32>
    %mul3A = vector.broadcast %slice3A : vector<1024x1xf32> to vector<1024x128xf32>
    %mul3A_72 = vector.broadcast %get3A_71 : vector<1x128xf32> to vector<1024x128xf32>
    %mul3A_73 = arith.mulf %mul3A, %mul3A_72 : vector<1024x128xf32>
    %add3A = arith.addf %mul3A_73, %dot_general3A_68 : vector<1024x128xf32>
    %slice3A_74 = vector.extract_strided_slice %reshape3A {offsets = [0, 1], sizes = [1024, 1], strides = [1, 1]} : vector<1024x13xf32> to vector<1024x1xf32>
    %mul3A_75 = vector.broadcast %slice3A_74 : vector<1024x1xf32> to vector<1024x128xf32>
    %mul3A_76 = vector.broadcast %get3A_71 : vector<1x128xf32> to vector<1024x128xf32>
    %mul3A_77 = arith.mulf %mul3A_75, %mul3A_76 : vector<1024x128xf32>
    %add3A_78 = arith.addf %mul3A_77, %dot_general3A_68 : vector<1024x128xf32>
    %slice3A_79 = vector.extract_strided_slice %reshape3A {offsets = [0, 2], sizes = [1024, 1], strides = [1, 1]} : vector<1024x13xf32> to vector<1024x1xf32>
    %mul3A_80 = vector.broadcast %slice3A_79 : vector<1024x1xf32> to vector<1024x128xf32>
    %mul3A_81 = vector.broadcast %get3A_71 : vector<1x128xf32> to vector<1024x128xf32>
    %mul3A_82 = arith.mulf %mul3A_80, %mul3A_81 : vector<1024x128xf32>
    %add3A_83 = arith.addf %mul3A_82, %dot_general3A_68 : vector<1024x128xf32>
    %slice3A_84 = vector.extract_strided_slice %reshape3A {offsets = [0, 3], sizes = [1024, 1], strides = [1, 1]} : vector<1024x13xf32> to vector<1024x1xf32>
    %mul3A_85 = vector.broadcast %slice3A_84 : vector<1024x1xf32> to vector<1024x128xf32>
    %mul3A_86 = vector.broadcast %get3A_71 : vector<1x128xf32> to vector<1024x128xf32>
    %mul3A_87 = arith.mulf %mul3A_85, %mul3A_86 : vector<1024x128xf32>
    %add3A_88 = arith.addf %mul3A_87, %dot_general3A_68 : vector<1024x128xf32>
    %slice3A_89 = vector.extract_strided_slice %reshape3A {offsets = [0, 4], sizes = [1024, 1], strides = [1, 1]} : vector<1024x13xf32> to vector<1024x1xf32>
    %mul3A_90 = vector.broadcast %slice3A_89 : vector<1024x1xf32> to vector<1024x128xf32>
    %mul3A_91 = vector.broadcast %get3A_71 : vector<1x128xf32> to vector<1024x128xf32>
    %mul3A_92 = arith.mulf %mul3A_90, %mul3A_91 : vector<1024x128xf32>
    %add3A_93 = arith.addf %mul3A_92, %dot_general3A_68 : vector<1024x128xf32>
    %slice3A_94 = vector.extract_strided_slice %reshape3A {offsets = [0, 5], sizes = [1024, 1], strides = [1, 1]} : vector<1024x13xf32> to vector<1024x1xf32>
    %mul3A_95 = vector.broadcast %slice3A_94 : vector<1024x1xf32> to vector<1024x128xf32>
    %mul3A_96 = vector.broadcast %get3A_71 : vector<1x128xf32> to vector<1024x128xf32>
    %mul3A_97 = arith.mulf %mul3A_95, %mul3A_96 : vector<1024x128xf32>
    %add3A_98 = arith.addf %mul3A_97, %dot_general3A_68 : vector<1024x128xf32>
    %slice3A_99 = vector.extract_strided_slice %reshape3A {offsets = [0, 6], sizes = [1024, 1], strides = [1, 1]} : vector<1024x13xf32> to vector<1024x1xf32>
    %mul3A_100 = vector.broadcast %slice3A_99 : vector<1024x1xf32> to vector<1024x128xf32>
    %mul3A_101 = vector.broadcast %get3A_71 : vector<1x128xf32> to vector<1024x128xf32>
    %mul3A_102 = arith.mulf %mul3A_100, %mul3A_101 : vector<1024x128xf32>
    %add3A_103 = arith.addf %mul3A_102, %dot_general3A_68 : vector<1024x128xf32>
    %slice3A_104 = vector.extract_strided_slice %reshape3A {offsets = [0, 7], sizes = [1024, 1], strides = [1, 1]} : vector<1024x13xf32> to vector<1024x1xf32>
    %mul3A_105 = vector.broadcast %slice3A_104 : vector<1024x1xf32> to vector<1024x128xf32>
    %mul3A_106 = vector.broadcast %get3A_71 : vector<1x128xf32> to vector<1024x128xf32>
    %mul3A_107 = arith.mulf %mul3A_105, %mul3A_106 : vector<1024x128xf32>
    %add3A_108 = arith.addf %mul3A_107, %dot_general3A_68 : vector<1024x128xf32>
    %slice3A_109 = vector.extract_strided_slice %reshape3A {offsets = [0, 8], sizes = [1024, 1], strides = [1, 1]} : vector<1024x13xf32> to vector<1024x1xf32>
    %mul3A_110 = vector.broadcast %slice3A_109 : vector<1024x1xf32> to vector<1024x128xf32>
    %mul3A_111 = vector.broadcast %get3A_71 : vector<1x128xf32> to vector<1024x128xf32>
    %mul3A_112 = arith.mulf %mul3A_110, %mul3A_111 : vector<1024x128xf32>
    %add3A_113 = arith.addf %mul3A_112, %dot_general3A_68 : vector<1024x128xf32>
    %slice3A_114 = vector.extract_strided_slice %reshape3A {offsets = [0, 9], sizes = [1024, 1], strides = [1, 1]} : vector<1024x13xf32> to vector<1024x1xf32>
    %mul3A_115 = vector.broadcast %slice3A_114 : vector<1024x1xf32> to vector<1024x128xf32>
    %mul3A_116 = vector.broadcast %get3A_71 : vector<1x128xf32> to vector<1024x128xf32>
    %mul3A_117 = arith.mulf %mul3A_115, %mul3A_116 : vector<1024x128xf32>
    %add3A_118 = arith.addf %mul3A_117, %dot_general3A_68 : vector<1024x128xf32>
    %slice3A_119 = vector.extract_strided_slice %reshape3A {offsets = [0, 10], sizes = [1024, 1], strides = [1, 1]} : vector<1024x13xf32> to vector<1024x1xf32>
    %mul3A_120 = vector.broadcast %slice3A_119 : vector<1024x1xf32> to vector<1024x128xf32>
    %mul3A_121 = vector.broadcast %get3A_71 : vector<1x128xf32> to vector<1024x128xf32>
    %mul3A_122 = arith.mulf %mul3A_120, %mul3A_121 : vector<1024x128xf32>
    %add3A_123 = arith.addf %mul3A_122, %dot_general3A_68 : vector<1024x128xf32>
    %slice3A_124 = vector.extract_strided_slice %reshape3A {offsets = [0, 11], sizes = [1024, 1], strides = [1, 1]} : vector<1024x13xf32> to vector<1024x1xf32>
    %mul3A_125 = vector.broadcast %slice3A_124 : vector<1024x1xf32> to vector<1024x128xf32>
    %mul3A_126 = vector.broadcast %get3A_71 : vector<1x128xf32> to vector<1024x128xf32>
    %mul3A_127 = arith.mulf %mul3A_125, %mul3A_126 : vector<1024x128xf32>
    %add3A_128 = arith.addf %mul3A_127, %dot_general3A_68 : vector<1024x128xf32>
    %slice3A_129 = vector.extract_strided_slice %reshape3A {offsets = [0, 12], sizes = [1024, 1], strides = [1, 1]} : vector<1024x13xf32> to vector<1024x1xf32>
    %mul3A_130 = vector.broadcast %slice3A_129 : vector<1024x1xf32> to vector<1024x128xf32>
    %mul3A_131 = vector.broadcast %get3A_71 : vector<1x128xf32> to vector<1024x128xf32>
    %mul3A_132 = arith.mulf %mul3A_130, %mul3A_131 : vector<1024x128xf32>
    %add3A_133 = arith.addf %mul3A_132, %dot_general3A_68 : vector<1024x128xf32>
    %concatenate3A = tpu.concatenate %add3A, %add3A_78, %add3A_83, %add3A_88, %add3A_93, %add3A_98, %add3A_103, %add3A_108, %add3A_113, %add3A_118, %add3A_123, %add3A_128, %add3A_133 in 1 : vector<1024x128xf32>, vector<1024x128xf32>, vector<1024x128xf32>, vector<1024x128xf32>, vector<1024x128xf32>, vector<1024x128xf32>, vector<1024x128xf32>, vector<1024x128xf32>, vector<1024x128xf32>, vector<1024x128xf32>, vector<1024x128xf32>, vector<1024x128xf32>, vector<1024x128xf32> -> vector<1024x1664xf32>
    %get3A_134 = arith.constant 0 : index
    %get3A_135 = arith.constant 0 : index
    %get3A_136 = vector.load %arg11[%get3A_134, %get3A_135] : memref<32x128xf32, #tpu.memory_space<vmem>>, vector<32x128xf32>
    %dot_general3A_137 = arith.constant dense<0.000000e+00> : vector<1024x128xf32>
    %dot_general3A_138 = tpu.matmul %reshape3A_46, %get3A_136, %dot_general3A_137 {dimension_numbers = #tpu.dot_dimension_numbers<[1], [0], [0], [1], [0, 0, 1, 1], [], []>, transpose_lhs_hint = false} : vector<1024x32xf32>, vector<32x128xf32>, vector<1024x128xf32> -> vector<1024x128xf32>
    %get3A_139 = arith.constant 0 : index
    %get3A_140 = arith.constant 0 : index
    %get3A_141 = vector.load %arg12[%get3A_139, %get3A_140] : memref<1x128xf32, #tpu.memory_space<vmem>>, vector<1x128xf32>
    %add3A_142 = vector.broadcast %get3A_141 : vector<1x128xf32> to vector<1024x128xf32>
    %add3A_143 = arith.addf %dot_general3A_138, %add3A_142 : vector<1024x128xf32>
    %get3A_144 = arith.constant 0 : index
    %get3A_145 = arith.constant 0 : index
    %get3A_146 = vector.load %arg10[%get3A_144, %get3A_145] : memref<1x128xf32, #tpu.memory_space<vmem>>, vector<1x128xf32>
    %slice3A_147 = vector.extract_strided_slice %reshape3A {offsets = [0, 0], sizes = [1024, 1], strides = [1, 1]} : vector<1024x13xf32> to vector<1024x1xf32>
    %mul3A_148 = vector.broadcast %slice3A_147 : vector<1024x1xf32> to vector<1024x128xf32>
    %mul3A_149 = vector.broadcast %get3A_146 : vector<1x128xf32> to vector<1024x128xf32>
    %mul3A_150 = arith.mulf %mul3A_148, %mul3A_149 : vector<1024x128xf32>
    %add3A_151 = arith.addf %mul3A_150, %add3A_143 : vector<1024x128xf32>
    %slice3A_152 = vector.extract_strided_slice %reshape3A {offsets = [0, 1], sizes = [1024, 1], strides = [1, 1]} : vector<1024x13xf32> to vector<1024x1xf32>
    %mul3A_153 = vector.broadcast %slice3A_152 : vector<1024x1xf32> to vector<1024x128xf32>
    %mul3A_154 = vector.broadcast %get3A_146 : vector<1x128xf32> to vector<1024x128xf32>
    %mul3A_155 = arith.mulf %mul3A_153, %mul3A_154 : vector<1024x128xf32>
    %add3A_156 = arith.addf %mul3A_155, %add3A_143 : vector<1024x128xf32>
    %slice3A_157 = vector.extract_strided_slice %reshape3A {offsets = [0, 2], sizes = [1024, 1], strides = [1, 1]} : vector<1024x13xf32> to vector<1024x1xf32>
    %mul3A_158 = vector.broadcast %slice3A_157 : vector<1024x1xf32> to vector<1024x128xf32>
    %mul3A_159 = vector.broadcast %get3A_146 : vector<1x128xf32> to vector<1024x128xf32>
    %mul3A_160 = arith.mulf %mul3A_158, %mul3A_159 : vector<1024x128xf32>
    %add3A_161 = arith.addf %mul3A_160, %add3A_143 : vector<1024x128xf32>
    %slice3A_162 = vector.extract_strided_slice %reshape3A {offsets = [0, 3], sizes = [1024, 1], strides = [1, 1]} : vector<1024x13xf32> to vector<1024x1xf32>
    %mul3A_163 = vector.broadcast %slice3A_162 : vector<1024x1xf32> to vector<1024x128xf32>
    %mul3A_164 = vector.broadcast %get3A_146 : vector<1x128xf32> to vector<1024x128xf32>
    %mul3A_165 = arith.mulf %mul3A_163, %mul3A_164 : vector<1024x128xf32>
    %add3A_166 = arith.addf %mul3A_165, %add3A_143 : vector<1024x128xf32>
    %slice3A_167 = vector.extract_strided_slice %reshape3A {offsets = [0, 4], sizes = [1024, 1], strides = [1, 1]} : vector<1024x13xf32> to vector<1024x1xf32>
    %mul3A_168 = vector.broadcast %slice3A_167 : vector<1024x1xf32> to vector<1024x128xf32>
    %mul3A_169 = vector.broadcast %get3A_146 : vector<1x128xf32> to vector<1024x128xf32>
    %mul3A_170 = arith.mulf %mul3A_168, %mul3A_169 : vector<1024x128xf32>
    %add3A_171 = arith.addf %mul3A_170, %add3A_143 : vector<1024x128xf32>
    %slice3A_172 = vector.extract_strided_slice %reshape3A {offsets = [0, 5], sizes = [1024, 1], strides = [1, 1]} : vector<1024x13xf32> to vector<1024x1xf32>
    %mul3A_173 = vector.broadcast %slice3A_172 : vector<1024x1xf32> to vector<1024x128xf32>
    %mul3A_174 = vector.broadcast %get3A_146 : vector<1x128xf32> to vector<1024x128xf32>
    %mul3A_175 = arith.mulf %mul3A_173, %mul3A_174 : vector<1024x128xf32>
    %add3A_176 = arith.addf %mul3A_175, %add3A_143 : vector<1024x128xf32>
    %slice3A_177 = vector.extract_strided_slice %reshape3A {offsets = [0, 6], sizes = [1024, 1], strides = [1, 1]} : vector<1024x13xf32> to vector<1024x1xf32>
    %mul3A_178 = vector.broadcast %slice3A_177 : vector<1024x1xf32> to vector<1024x128xf32>
    %mul3A_179 = vector.broadcast %get3A_146 : vector<1x128xf32> to vector<1024x128xf32>
    %mul3A_180 = arith.mulf %mul3A_178, %mul3A_179 : vector<1024x128xf32>
    %add3A_181 = arith.addf %mul3A_180, %add3A_143 : vector<1024x128xf32>
    %slice3A_182 = vector.extract_strided_slice %reshape3A {offsets = [0, 7], sizes = [1024, 1], strides = [1, 1]} : vector<1024x13xf32> to vector<1024x1xf32>
    %mul3A_183 = vector.broadcast %slice3A_182 : vector<1024x1xf32> to vector<1024x128xf32>
    %mul3A_184 = vector.broadcast %get3A_146 : vector<1x128xf32> to vector<1024x128xf32>
    %mul3A_185 = arith.mulf %mul3A_183, %mul3A_184 : vector<1024x128xf32>
    %add3A_186 = arith.addf %mul3A_185, %add3A_143 : vector<1024x128xf32>
    %slice3A_187 = vector.extract_strided_slice %reshape3A {offsets = [0, 8], sizes = [1024, 1], strides = [1, 1]} : vector<1024x13xf32> to vector<1024x1xf32>
    %mul3A_188 = vector.broadcast %slice3A_187 : vector<1024x1xf32> to vector<1024x128xf32>
    %mul3A_189 = vector.broadcast %get3A_146 : vector<1x128xf32> to vector<1024x128xf32>
    %mul3A_190 = arith.mulf %mul3A_188, %mul3A_189 : vector<1024x128xf32>
    %add3A_191 = arith.addf %mul3A_190, %add3A_143 : vector<1024x128xf32>
    %slice3A_192 = vector.extract_strided_slice %reshape3A {offsets = [0, 9], sizes = [1024, 1], strides = [1, 1]} : vector<1024x13xf32> to vector<1024x1xf32>
    %mul3A_193 = vector.broadcast %slice3A_192 : vector<1024x1xf32> to vector<1024x128xf32>
    %mul3A_194 = vector.broadcast %get3A_146 : vector<1x128xf32> to vector<1024x128xf32>
    %mul3A_195 = arith.mulf %mul3A_193, %mul3A_194 : vector<1024x128xf32>
    %add3A_196 = arith.addf %mul3A_195, %add3A_143 : vector<1024x128xf32>
    %slice3A_197 = vector.extract_strided_slice %reshape3A {offsets = [0, 10], sizes = [1024, 1], strides = [1, 1]} : vector<1024x13xf32> to vector<1024x1xf32>
    %mul3A_198 = vector.broadcast %slice3A_197 : vector<1024x1xf32> to vector<1024x128xf32>
    %mul3A_199 = vector.broadcast %get3A_146 : vector<1x128xf32> to vector<1024x128xf32>
    %mul3A_200 = arith.mulf %mul3A_198, %mul3A_199 : vector<1024x128xf32>
    %add3A_201 = arith.addf %mul3A_200, %add3A_143 : vector<1024x128xf32>
    %slice3A_202 = vector.extract_strided_slice %reshape3A {offsets = [0, 11], sizes = [1024, 1], strides = [1, 1]} : vector<1024x13xf32> to vector<1024x1xf32>
    %mul3A_203 = vector.broadcast %slice3A_202 : vector<1024x1xf32> to vector<1024x128xf32>
    %mul3A_204 = vector.broadcast %get3A_146 : vector<1x128xf32> to vector<1024x128xf32>
    %mul3A_205 = arith.mulf %mul3A_203, %mul3A_204 : vector<1024x128xf32>
    %add3A_206 = arith.addf %mul3A_205, %add3A_143 : vector<1024x128xf32>
    %slice3A_207 = vector.extract_strided_slice %reshape3A {offsets = [0, 12], sizes = [1024, 1], strides = [1, 1]} : vector<1024x13xf32> to vector<1024x1xf32>
    %mul3A_208 = vector.broadcast %slice3A_207 : vector<1024x1xf32> to vector<1024x128xf32>
    %mul3A_209 = vector.broadcast %get3A_146 : vector<1x128xf32> to vector<1024x128xf32>
    %mul3A_210 = arith.mulf %mul3A_208, %mul3A_209 : vector<1024x128xf32>
    %add3A_211 = arith.addf %mul3A_210, %add3A_143 : vector<1024x128xf32>
    %concatenate3A_212 = tpu.concatenate %add3A_151, %add3A_156, %add3A_161, %add3A_166, %add3A_171, %add3A_176, %add3A_181, %add3A_186, %add3A_191, %add3A_196, %add3A_201, %add3A_206, %add3A_211 in 1 : vector<1024x128xf32>, vector<1024x128xf32>, vector<1024x128xf32>, vector<1024x128xf32>, vector<1024x128xf32>, vector<1024x128xf32>, vector<1024x128xf32>, vector<1024x128xf32>, vector<1024x128xf32>, vector<1024x128xf32>, vector<1024x128xf32>, vector<1024x128xf32>, vector<1024x128xf32> -> vector<1024x1664xf32>
    %get3A_213 = arith.constant 0 : index
    %get3A_214 = arith.constant 0 : index
    %get3A_215 = vector.load %arg13[%get3A_213, %get3A_214] : memref<1664x104xf32, #tpu.memory_space<vmem>>, vector<1664x104xf32>
    %dot_general3A_216 = arith.constant dense<0.000000e+00> : vector<1024x104xf32>
    %dot_general3A_217 = tpu.matmul %concatenate3A, %get3A_215, %dot_general3A_216 {dimension_numbers = #tpu.dot_dimension_numbers<[1], [0], [0], [1], [0, 0, 1, 1], [], []>, transpose_lhs_hint = false} : vector<1024x1664xf32>, vector<1664x104xf32>, vector<1024x104xf32> -> vector<1024x104xf32>
    %dot_general3A_218 = arith.constant dense<0.000000e+00> : vector<1024x676xf32>
    %dot_general3A_219 = tpu.matmul %dot_general3A_217, %get3A_49, %dot_general3A_218 {dimension_numbers = #tpu.dot_dimension_numbers<[1], [0], [0], [1], [0, 0, 1, 1], [], []>, transpose_lhs_hint = false} : vector<1024x104xf32>, vector<104x676xf32>, vector<1024x676xf32> -> vector<1024x676xf32>
    %ge3A = arith.constant 0.000000e+00 : f32
    %ge3A_220 = vector.broadcast %ge3A : f32 to vector<1024x676xf32>
    %ge3A_221 = arith.cmpf oge, %dot_general3A_219, %ge3A_220 : vector<1024x676xf32>
    %mul3A_222 = arith.constant 2.000000e-01 : f32
    %mul3A_223 = vector.broadcast %mul3A_222 : f32 to vector<1024x676xf32>
    %mul3A_224 = arith.mulf %mul3A_223, %dot_general3A_219 : vector<1024x676xf32>
    %select_n3A = arith.select %ge3A_221, %dot_general3A_219, %mul3A_224 : vector<1024x676xi1>, vector<1024x676xf32>
    %gt3A = arith.constant 0.000000e+00 : f32
    %gt3A_225 = vector.broadcast %gt3A : f32 to vector<1x676xf32>
    %gt3A_226 = arith.cmpf ogt, %get3A_58, %gt3A_225 : vector<1x676xf32>
    %jit3A = arith.constant -1.000000e+30 : f32
    %broadcast_in_dim3A = vector.shape_cast %gt3A_226 : vector<1x676xi1> to vector<1x676xi1>
    %broadcast_in_dim3A_227 = vector.broadcast %broadcast_in_dim3A : vector<1x676xi1> to vector<1024x676xi1>
    %broadcast_in_dim3A_228 = vector.broadcast %jit3A : f32 to vector<1024x676xf32>
    %select_n3A_229 = arith.select %broadcast_in_dim3A_227, %select_n3A, %broadcast_in_dim3A_228 : vector<1024x676xi1>, vector<1024x676xf32>
    %reduce_max3A = arith.constant dense<0xFF800000> : vector<1024xf32>
    %reduce_max3A_230 = vector.multi_reduction <maximumf>, %select_n3A_229, %reduce_max3A [1] : vector<1024x676xf32> to vector<1024xf32>
    %broadcast_in_dim3A_231 = vector.shape_cast %reduce_max3A_230 : vector<1024xf32> to vector<1024x1xf32>
    %sub3A = vector.broadcast %broadcast_in_dim3A_231 : vector<1024x1xf32> to vector<1024x676xf32>
    %sub3A_232 = arith.subf %select_n3A_229, %sub3A : vector<1024x676xf32>
    %exp3A = math.exp %sub3A_232 : vector<1024x676xf32>
    %mul3A_233 = vector.broadcast %get3A_58 : vector<1x676xf32> to vector<1024x676xf32>
    %mul3A_234 = arith.mulf %exp3A, %mul3A_233 : vector<1024x676xf32>
    %dot_general3A_235 = arith.constant dense<0.000000e+00> : vector<1024x52xf32>
    %dot_general3A_236 = tpu.matmul %mul3A_234, %get3A_55, %dot_general3A_235 {dimension_numbers = #tpu.dot_dimension_numbers<[1], [0], [0], [1], [0, 0, 1, 1], [], []>, transpose_lhs_hint = false} : vector<1024x676xf32>, vector<676x52xf32>, vector<1024x52xf32> -> vector<1024x52xf32>
    %add3A_237 = arith.constant 1.000000e-16 : f32
    %add3A_238 = vector.broadcast %add3A_237 : f32 to vector<1024x52xf32>
    %add3A_239 = arith.addf %dot_general3A_236, %add3A_238 : vector<1024x52xf32>
    %div3A = arith.constant 1.000000e+00 : f32
    %div3A_240 = vector.broadcast %div3A : f32 to vector<1024x52xf32>
    %div3A_241 = arith.divf %div3A_240, %add3A_239 : vector<1024x52xf32>
    %dot_general3A_242 = arith.constant dense<0.000000e+00> : vector<1024x676xf32>
    %dot_general3A_243 = tpu.matmul %div3A_241, %get3A_52, %dot_general3A_242 {dimension_numbers = #tpu.dot_dimension_numbers<[1], [0], [0], [1], [0, 0, 1, 1], [], []>, transpose_lhs_hint = false} : vector<1024x52xf32>, vector<52x676xf32>, vector<1024x676xf32> -> vector<1024x676xf32>
    %mul3A_244 = arith.mulf %mul3A_234, %dot_general3A_243 : vector<1024x676xf32>
    %slice3A_245 = vector.extract_strided_slice %mul3A_244 {offsets = [0, 0], sizes = [1024, 52], strides = [1, 1]} : vector<1024x676xf32> to vector<1024x52xf32>
    %dot_general3A_246 = arith.constant dense<0.000000e+00> : vector<1024x896xf32>
    %dot_general3A_247 = tpu.matmul %slice3A_245, %get3A_1, %dot_general3A_246 {dimension_numbers = #tpu.dot_dimension_numbers<[1], [0], [0], [1], [0, 0, 1, 1], [], []>, transpose_lhs_hint = false} : vector<1024x52xf32>, vector<52x896xf32>, vector<1024x896xf32> -> vector<1024x896xf32>
    %slice3A_248 = vector.extract_strided_slice %concatenate3A {offsets = [0, 0], sizes = [1024, 128], strides = [1, 1]} : vector<1024x1664xf32> to vector<1024x128xf32>
    %slice3A_249 = vector.extract_strided_slice %dot_general3A_247 {offsets = [0, 0], sizes = [1024, 128], strides = [1, 1]} : vector<1024x896xf32> to vector<1024x128xf32>
    %mul3A_250 = arith.mulf %slice3A_249, %slice3A_248 : vector<1024x128xf32>
    %slice3A_251 = vector.extract_strided_slice %dot_general3A_247 {offsets = [0, 128], sizes = [1024, 128], strides = [1, 1]} : vector<1024x896xf32> to vector<1024x128xf32>
    %mul3A_252 = arith.mulf %slice3A_251, %slice3A_248 : vector<1024x128xf32>
    %slice3A_253 = vector.extract_strided_slice %dot_general3A_247 {offsets = [0, 256], sizes = [1024, 128], strides = [1, 1]} : vector<1024x896xf32> to vector<1024x128xf32>
    %mul3A_254 = arith.mulf %slice3A_253, %slice3A_248 : vector<1024x128xf32>
    %slice3A_255 = vector.extract_strided_slice %dot_general3A_247 {offsets = [0, 384], sizes = [1024, 128], strides = [1, 1]} : vector<1024x896xf32> to vector<1024x128xf32>
    %mul3A_256 = arith.mulf %slice3A_255, %slice3A_248 : vector<1024x128xf32>
    %slice3A_257 = vector.extract_strided_slice %dot_general3A_247 {offsets = [0, 512], sizes = [1024, 128], strides = [1, 1]} : vector<1024x896xf32> to vector<1024x128xf32>
    %mul3A_258 = arith.mulf %slice3A_257, %slice3A_248 : vector<1024x128xf32>
    %slice3A_259 = vector.extract_strided_slice %dot_general3A_247 {offsets = [0, 640], sizes = [1024, 128], strides = [1, 1]} : vector<1024x896xf32> to vector<1024x128xf32>
    %mul3A_260 = arith.mulf %slice3A_259, %slice3A_248 : vector<1024x128xf32>
    %slice3A_261 = vector.extract_strided_slice %dot_general3A_247 {offsets = [0, 768], sizes = [1024, 128], strides = [1, 1]} : vector<1024x896xf32> to vector<1024x128xf32>
    %mul3A_262 = arith.mulf %slice3A_261, %slice3A_248 : vector<1024x128xf32>
    %slice3A_263 = vector.extract_strided_slice %mul3A_244 {offsets = [0, 52], sizes = [1024, 52], strides = [1, 1]} : vector<1024x676xf32> to vector<1024x52xf32>
    %dot_general3A_264 = arith.constant dense<0.000000e+00> : vector<1024x256xf32>
    %dot_general3A_265 = tpu.matmul %slice3A_263, %get3A_4, %dot_general3A_264 {dimension_numbers = #tpu.dot_dimension_numbers<[1], [0], [0], [1], [0, 0, 1, 1], [], []>, transpose_lhs_hint = false} : vector<1024x52xf32>, vector<52x256xf32>, vector<1024x256xf32> -> vector<1024x256xf32>
    %slice3A_266 = vector.extract_strided_slice %concatenate3A {offsets = [0, 128], sizes = [1024, 128], strides = [1, 1]} : vector<1024x1664xf32> to vector<1024x128xf32>
    %slice3A_267 = vector.extract_strided_slice %dot_general3A_265 {offsets = [0, 0], sizes = [1024, 128], strides = [1, 1]} : vector<1024x256xf32> to vector<1024x128xf32>
    %mul3A_268 = arith.mulf %slice3A_267, %slice3A_266 : vector<1024x128xf32>
    %slice3A_269 = vector.extract_strided_slice %dot_general3A_265 {offsets = [0, 128], sizes = [1024, 128], strides = [1, 1]} : vector<1024x256xf32> to vector<1024x128xf32>
    %mul3A_270 = arith.mulf %slice3A_269, %slice3A_266 : vector<1024x128xf32>
    %add3A_271 = arith.addf %mul3A_256, %mul3A_270 : vector<1024x128xf32>
    %slice3A_272 = vector.extract_strided_slice %mul3A_244 {offsets = [0, 104], sizes = [1024, 52], strides = [1, 1]} : vector<1024x676xf32> to vector<1024x52xf32>
    %dot_general3A_273 = arith.constant dense<0.000000e+00> : vector<1024x256xf32>
    %dot_general3A_274 = tpu.matmul %slice3A_272, %get3A_7, %dot_general3A_273 {dimension_numbers = #tpu.dot_dimension_numbers<[1], [0], [0], [1], [0, 0, 1, 1], [], []>, transpose_lhs_hint = false} : vector<1024x52xf32>, vector<52x256xf32>, vector<1024x256xf32> -> vector<1024x256xf32>
    %slice3A_275 = vector.extract_strided_slice %concatenate3A {offsets = [0, 256], sizes = [1024, 128], strides = [1, 1]} : vector<1024x1664xf32> to vector<1024x128xf32>
    %slice3A_276 = vector.extract_strided_slice %dot_general3A_274 {offsets = [0, 0], sizes = [1024, 128], strides = [1, 1]} : vector<1024x256xf32> to vector<1024x128xf32>
    %mul3A_277 = arith.mulf %slice3A_276, %slice3A_275 : vector<1024x128xf32>
    %slice3A_278 = vector.extract_strided_slice %dot_general3A_274 {offsets = [0, 128], sizes = [1024, 128], strides = [1, 1]} : vector<1024x256xf32> to vector<1024x128xf32>
    %mul3A_279 = arith.mulf %slice3A_278, %slice3A_275 : vector<1024x128xf32>
    %slice3A_280 = vector.extract_strided_slice %mul3A_244 {offsets = [0, 156], sizes = [1024, 52], strides = [1, 1]} : vector<1024x676xf32> to vector<1024x52xf32>
    %dot_general3A_281 = arith.constant dense<0.000000e+00> : vector<1024x256xf32>
    %dot_general3A_282 = tpu.matmul %slice3A_280, %get3A_10, %dot_general3A_281 {dimension_numbers = #tpu.dot_dimension_numbers<[1], [0], [0], [1], [0, 0, 1, 1], [], []>, transpose_lhs_hint = false} : vector<1024x52xf32>, vector<52x256xf32>, vector<1024x256xf32> -> vector<1024x256xf32>
    %slice3A_283 = vector.extract_strided_slice %concatenate3A {offsets = [0, 384], sizes = [1024, 128], strides = [1, 1]} : vector<1024x1664xf32> to vector<1024x128xf32>
    %slice3A_284 = vector.extract_strided_slice %dot_general3A_282 {offsets = [0, 0], sizes = [1024, 128], strides = [1, 1]} : vector<1024x256xf32> to vector<1024x128xf32>
    %mul3A_285 = arith.mulf %slice3A_284, %slice3A_283 : vector<1024x128xf32>
    %slice3A_286 = vector.extract_strided_slice %dot_general3A_282 {offsets = [0, 128], sizes = [1024, 128], strides = [1, 1]} : vector<1024x256xf32> to vector<1024x128xf32>
    %mul3A_287 = arith.mulf %slice3A_286, %slice3A_283 : vector<1024x128xf32>
    %add3A_288 = arith.addf %mul3A_252, %mul3A_287 : vector<1024x128xf32>
    %slice3A_289 = vector.extract_strided_slice %mul3A_244 {offsets = [0, 208], sizes = [1024, 52], strides = [1, 1]} : vector<1024x676xf32> to vector<1024x52xf32>
    %dot_general3A_290 = arith.constant dense<0.000000e+00> : vector<1024x512xf32>
    %dot_general3A_291 = tpu.matmul %slice3A_289, %get3A_13, %dot_general3A_290 {dimension_numbers = #tpu.dot_dimension_numbers<[1], [0], [0], [1], [0, 0, 1, 1], [], []>, transpose_lhs_hint = false} : vector<1024x52xf32>, vector<52x512xf32>, vector<1024x512xf32> -> vector<1024x512xf32>
    %slice3A_292 = vector.extract_strided_slice %concatenate3A {offsets = [0, 512], sizes = [1024, 128], strides = [1, 1]} : vector<1024x1664xf32> to vector<1024x128xf32>
    %slice3A_293 = vector.extract_strided_slice %dot_general3A_291 {offsets = [0, 0], sizes = [1024, 128], strides = [1, 1]} : vector<1024x512xf32> to vector<1024x128xf32>
    %mul3A_294 = arith.mulf %slice3A_293, %slice3A_292 : vector<1024x128xf32>
    %add3A_295 = arith.addf %mul3A_250, %mul3A_294 : vector<1024x128xf32>
    %slice3A_296 = vector.extract_strided_slice %dot_general3A_291 {offsets = [0, 128], sizes = [1024, 128], strides = [1, 1]} : vector<1024x512xf32> to vector<1024x128xf32>
    %mul3A_297 = arith.mulf %slice3A_296, %slice3A_292 : vector<1024x128xf32>
    %add3A_298 = arith.addf %mul3A_285, %mul3A_297 : vector<1024x128xf32>
    %slice3A_299 = vector.extract_strided_slice %dot_general3A_291 {offsets = [0, 256], sizes = [1024, 128], strides = [1, 1]} : vector<1024x512xf32> to vector<1024x128xf32>
    %mul3A_300 = arith.mulf %slice3A_299, %slice3A_292 : vector<1024x128xf32>
    %add3A_301 = arith.addf %add3A_288, %mul3A_300 : vector<1024x128xf32>
    %slice3A_302 = vector.extract_strided_slice %dot_general3A_291 {offsets = [0, 384], sizes = [1024, 128], strides = [1, 1]} : vector<1024x512xf32> to vector<1024x128xf32>
    %mul3A_303 = arith.mulf %slice3A_302, %slice3A_292 : vector<1024x128xf32>
    %add3A_304 = arith.addf %mul3A_260, %mul3A_303 : vector<1024x128xf32>
    %slice3A_305 = vector.extract_strided_slice %mul3A_244 {offsets = [0, 260], sizes = [1024, 52], strides = [1, 1]} : vector<1024x676xf32> to vector<1024x52xf32>
    %dot_general3A_306 = arith.constant dense<0.000000e+00> : vector<1024x256xf32>
    %dot_general3A_307 = tpu.matmul %slice3A_305, %get3A_16, %dot_general3A_306 {dimension_numbers = #tpu.dot_dimension_numbers<[1], [0], [0], [1], [0, 0, 1, 1], [], []>, transpose_lhs_hint = false} : vector<1024x52xf32>, vector<52x256xf32>, vector<1024x256xf32> -> vector<1024x256xf32>
    %slice3A_308 = vector.extract_strided_slice %concatenate3A {offsets = [0, 640], sizes = [1024, 128], strides = [1, 1]} : vector<1024x1664xf32> to vector<1024x128xf32>
    %slice3A_309 = vector.extract_strided_slice %dot_general3A_307 {offsets = [0, 0], sizes = [1024, 128], strides = [1, 1]} : vector<1024x256xf32> to vector<1024x128xf32>
    %mul3A_310 = arith.mulf %slice3A_309, %slice3A_308 : vector<1024x128xf32>
    %slice3A_311 = vector.extract_strided_slice %dot_general3A_307 {offsets = [0, 128], sizes = [1024, 128], strides = [1, 1]} : vector<1024x256xf32> to vector<1024x128xf32>
    %mul3A_312 = arith.mulf %slice3A_311, %slice3A_308 : vector<1024x128xf32>
    %add3A_313 = arith.addf %mul3A_254, %mul3A_312 : vector<1024x128xf32>
    %slice3A_314 = vector.extract_strided_slice %mul3A_244 {offsets = [0, 312], sizes = [1024, 52], strides = [1, 1]} : vector<1024x676xf32> to vector<1024x52xf32>
    %dot_general3A_315 = arith.constant dense<0.000000e+00> : vector<1024x512xf32>
    %dot_general3A_316 = tpu.matmul %slice3A_314, %get3A_19, %dot_general3A_315 {dimension_numbers = #tpu.dot_dimension_numbers<[1], [0], [0], [1], [0, 0, 1, 1], [], []>, transpose_lhs_hint = false} : vector<1024x52xf32>, vector<52x512xf32>, vector<1024x512xf32> -> vector<1024x512xf32>
    %slice3A_317 = vector.extract_strided_slice %concatenate3A {offsets = [0, 768], sizes = [1024, 128], strides = [1, 1]} : vector<1024x1664xf32> to vector<1024x128xf32>
    %slice3A_318 = vector.extract_strided_slice %dot_general3A_316 {offsets = [0, 0], sizes = [1024, 128], strides = [1, 1]} : vector<1024x512xf32> to vector<1024x128xf32>
    %mul3A_319 = arith.mulf %slice3A_318, %slice3A_317 : vector<1024x128xf32>
    %add3A_320 = arith.addf %add3A_295, %mul3A_319 : vector<1024x128xf32>
    %slice3A_321 = vector.extract_strided_slice %dot_general3A_316 {offsets = [0, 128], sizes = [1024, 128], strides = [1, 1]} : vector<1024x512xf32> to vector<1024x128xf32>
    %mul3A_322 = arith.mulf %slice3A_321, %slice3A_317 : vector<1024x128xf32>
    %add3A_323 = arith.addf %mul3A_310, %mul3A_322 : vector<1024x128xf32>
    %slice3A_324 = vector.extract_strided_slice %dot_general3A_316 {offsets = [0, 256], sizes = [1024, 128], strides = [1, 1]} : vector<1024x512xf32> to vector<1024x128xf32>
    %mul3A_325 = arith.mulf %slice3A_324, %slice3A_317 : vector<1024x128xf32>
    %add3A_326 = arith.addf %add3A_313, %mul3A_325 : vector<1024x128xf32>
    %slice3A_327 = vector.extract_strided_slice %dot_general3A_316 {offsets = [0, 384], sizes = [1024, 128], strides = [1, 1]} : vector<1024x512xf32> to vector<1024x128xf32>
    %mul3A_328 = arith.mulf %slice3A_327, %slice3A_317 : vector<1024x128xf32>
    %add3A_329 = arith.addf %add3A_304, %mul3A_328 : vector<1024x128xf32>
    %slice3A_330 = vector.extract_strided_slice %mul3A_244 {offsets = [0, 364], sizes = [1024, 52], strides = [1, 1]} : vector<1024x676xf32> to vector<1024x52xf32>
    %dot_general3A_331 = arith.constant dense<0.000000e+00> : vector<1024x384xf32>
    %dot_general3A_332 = tpu.matmul %slice3A_330, %get3A_22, %dot_general3A_331 {dimension_numbers = #tpu.dot_dimension_numbers<[1], [0], [0], [1], [0, 0, 1, 1], [], []>, transpose_lhs_hint = false} : vector<1024x52xf32>, vector<52x384xf32>, vector<1024x384xf32> -> vector<1024x384xf32>
    %slice3A_333 = vector.extract_strided_slice %concatenate3A {offsets = [0, 896], sizes = [1024, 128], strides = [1, 1]} : vector<1024x1664xf32> to vector<1024x128xf32>
    %slice3A_334 = vector.extract_strided_slice %dot_general3A_332 {offsets = [0, 0], sizes = [1024, 128], strides = [1, 1]} : vector<1024x384xf32> to vector<1024x128xf32>
    %mul3A_335 = arith.mulf %slice3A_334, %slice3A_333 : vector<1024x128xf32>
    %add3A_336 = arith.addf %add3A_320, %mul3A_335 : vector<1024x128xf32>
    %slice3A_337 = vector.extract_strided_slice %dot_general3A_332 {offsets = [0, 128], sizes = [1024, 128], strides = [1, 1]} : vector<1024x384xf32> to vector<1024x128xf32>
    %mul3A_338 = arith.mulf %slice3A_337, %slice3A_333 : vector<1024x128xf32>
    %add3A_339 = arith.addf %mul3A_268, %mul3A_338 : vector<1024x128xf32>
    %slice3A_340 = vector.extract_strided_slice %dot_general3A_332 {offsets = [0, 256], sizes = [1024, 128], strides = [1, 1]} : vector<1024x384xf32> to vector<1024x128xf32>
    %mul3A_341 = arith.mulf %slice3A_340, %slice3A_333 : vector<1024x128xf32>
    %add3A_342 = arith.addf %add3A_271, %mul3A_341 : vector<1024x128xf32>
    %slice3A_343 = vector.extract_strided_slice %mul3A_244 {offsets = [0, 416], sizes = [1024, 52], strides = [1, 1]} : vector<1024x676xf32> to vector<1024x52xf32>
    %dot_general3A_344 = arith.constant dense<0.000000e+00> : vector<1024x512xf32>
    %dot_general3A_345 = tpu.matmul %slice3A_343, %get3A_25, %dot_general3A_344 {dimension_numbers = #tpu.dot_dimension_numbers<[1], [0], [0], [1], [0, 0, 1, 1], [], []>, transpose_lhs_hint = false} : vector<1024x52xf32>, vector<52x512xf32>, vector<1024x512xf32> -> vector<1024x512xf32>
    %slice3A_346 = vector.extract_strided_slice %concatenate3A {offsets = [0, 1024], sizes = [1024, 128], strides = [1, 1]} : vector<1024x1664xf32> to vector<1024x128xf32>
    %slice3A_347 = vector.extract_strided_slice %dot_general3A_345 {offsets = [0, 0], sizes = [1024, 128], strides = [1, 1]} : vector<1024x512xf32> to vector<1024x128xf32>
    %mul3A_348 = arith.mulf %slice3A_347, %slice3A_346 : vector<1024x128xf32>
    %add3A_349 = arith.addf %add3A_336, %mul3A_348 : vector<1024x128xf32>
    %slice3A_350 = vector.extract_strided_slice %dot_general3A_345 {offsets = [0, 128], sizes = [1024, 128], strides = [1, 1]} : vector<1024x512xf32> to vector<1024x128xf32>
    %mul3A_351 = arith.mulf %slice3A_350, %slice3A_346 : vector<1024x128xf32>
    %add3A_352 = arith.addf %mul3A_258, %mul3A_351 : vector<1024x128xf32>
    %slice3A_353 = vector.extract_strided_slice %dot_general3A_345 {offsets = [0, 256], sizes = [1024, 128], strides = [1, 1]} : vector<1024x512xf32> to vector<1024x128xf32>
    %mul3A_354 = arith.mulf %slice3A_353, %slice3A_346 : vector<1024x128xf32>
    %add3A_355 = arith.addf %mul3A_279, %mul3A_354 : vector<1024x128xf32>
    %slice3A_356 = vector.extract_strided_slice %dot_general3A_345 {offsets = [0, 384], sizes = [1024, 128], strides = [1, 1]} : vector<1024x512xf32> to vector<1024x128xf32>
    %mul3A_357 = arith.mulf %slice3A_356, %slice3A_346 : vector<1024x128xf32>
    %add3A_358 = arith.addf %add3A_329, %mul3A_357 : vector<1024x128xf32>
    %slice3A_359 = vector.extract_strided_slice %mul3A_244 {offsets = [0, 468], sizes = [1024, 52], strides = [1, 1]} : vector<1024x676xf32> to vector<1024x52xf32>
    %dot_general3A_360 = arith.constant dense<0.000000e+00> : vector<1024x384xf32>
    %dot_general3A_361 = tpu.matmul %slice3A_359, %get3A_28, %dot_general3A_360 {dimension_numbers = #tpu.dot_dimension_numbers<[1], [0], [0], [1], [0, 0, 1, 1], [], []>, transpose_lhs_hint = false} : vector<1024x52xf32>, vector<52x384xf32>, vector<1024x384xf32> -> vector<1024x384xf32>
    %slice3A_362 = vector.extract_strided_slice %concatenate3A {offsets = [0, 1152], sizes = [1024, 128], strides = [1, 1]} : vector<1024x1664xf32> to vector<1024x128xf32>
    %slice3A_363 = vector.extract_strided_slice %dot_general3A_361 {offsets = [0, 0], sizes = [1024, 128], strides = [1, 1]} : vector<1024x384xf32> to vector<1024x128xf32>
    %mul3A_364 = arith.mulf %slice3A_363, %slice3A_362 : vector<1024x128xf32>
    %add3A_365 = arith.addf %mul3A_277, %mul3A_364 : vector<1024x128xf32>
    %slice3A_366 = vector.extract_strided_slice %dot_general3A_361 {offsets = [0, 128], sizes = [1024, 128], strides = [1, 1]} : vector<1024x384xf32> to vector<1024x128xf32>
    %mul3A_367 = arith.mulf %slice3A_366, %slice3A_362 : vector<1024x128xf32>
    %add3A_368 = arith.addf %add3A_352, %mul3A_367 : vector<1024x128xf32>
    %slice3A_369 = vector.extract_strided_slice %dot_general3A_361 {offsets = [0, 256], sizes = [1024, 128], strides = [1, 1]} : vector<1024x384xf32> to vector<1024x128xf32>
    %mul3A_370 = arith.mulf %slice3A_369, %slice3A_362 : vector<1024x128xf32>
    %add3A_371 = arith.addf %add3A_355, %mul3A_370 : vector<1024x128xf32>
    %slice3A_372 = vector.extract_strided_slice %mul3A_244 {offsets = [0, 520], sizes = [1024, 52], strides = [1, 1]} : vector<1024x676xf32> to vector<1024x52xf32>
    %dot_general3A_373 = arith.constant dense<0.000000e+00> : vector<1024x768xf32>
    %dot_general3A_374 = tpu.matmul %slice3A_372, %get3A_31, %dot_general3A_373 {dimension_numbers = #tpu.dot_dimension_numbers<[1], [0], [0], [1], [0, 0, 1, 1], [], []>, transpose_lhs_hint = false} : vector<1024x52xf32>, vector<52x768xf32>, vector<1024x768xf32> -> vector<1024x768xf32>
    %slice3A_375 = vector.extract_strided_slice %concatenate3A {offsets = [0, 1280], sizes = [1024, 128], strides = [1, 1]} : vector<1024x1664xf32> to vector<1024x128xf32>
    %slice3A_376 = vector.extract_strided_slice %dot_general3A_374 {offsets = [0, 0], sizes = [1024, 128], strides = [1, 1]} : vector<1024x768xf32> to vector<1024x128xf32>
    %mul3A_377 = arith.mulf %slice3A_376, %slice3A_375 : vector<1024x128xf32>
    %add3A_378 = arith.addf %add3A_349, %mul3A_377 : vector<1024x128xf32>
    %slice3A_379 = vector.extract_strided_slice %dot_general3A_374 {offsets = [0, 128], sizes = [1024, 128], strides = [1, 1]} : vector<1024x768xf32> to vector<1024x128xf32>
    %mul3A_380 = arith.mulf %slice3A_379, %slice3A_375 : vector<1024x128xf32>
    %add3A_381 = arith.addf %add3A_301, %mul3A_380 : vector<1024x128xf32>
    %slice3A_382 = vector.extract_strided_slice %dot_general3A_374 {offsets = [0, 256], sizes = [1024, 128], strides = [1, 1]} : vector<1024x768xf32> to vector<1024x128xf32>
    %mul3A_383 = arith.mulf %slice3A_382, %slice3A_375 : vector<1024x128xf32>
    %add3A_384 = arith.addf %add3A_326, %mul3A_383 : vector<1024x128xf32>
    %slice3A_385 = vector.extract_strided_slice %dot_general3A_374 {offsets = [0, 384], sizes = [1024, 128], strides = [1, 1]} : vector<1024x768xf32> to vector<1024x128xf32>
    %mul3A_386 = arith.mulf %slice3A_385, %slice3A_375 : vector<1024x128xf32>
    %add3A_387 = arith.addf %add3A_368, %mul3A_386 : vector<1024x128xf32>
    %slice3A_388 = vector.extract_strided_slice %dot_general3A_374 {offsets = [0, 512], sizes = [1024, 128], strides = [1, 1]} : vector<1024x768xf32> to vector<1024x128xf32>
    %mul3A_389 = arith.mulf %slice3A_388, %slice3A_375 : vector<1024x128xf32>
    %add3A_390 = arith.addf %add3A_358, %mul3A_389 : vector<1024x128xf32>
    %slice3A_391 = vector.extract_strided_slice %dot_general3A_374 {offsets = [0, 640], sizes = [1024, 128], strides = [1, 1]} : vector<1024x768xf32> to vector<1024x128xf32>
    %mul3A_392 = arith.mulf %slice3A_391, %slice3A_375 : vector<1024x128xf32>
    %add3A_393 = arith.addf %mul3A_262, %mul3A_392 : vector<1024x128xf32>
    %slice3A_394 = vector.extract_strided_slice %mul3A_244 {offsets = [0, 572], sizes = [1024, 52], strides = [1, 1]} : vector<1024x676xf32> to vector<1024x52xf32>
    %dot_general3A_395 = arith.constant dense<0.000000e+00> : vector<1024x512xf32>
    %dot_general3A_396 = tpu.matmul %slice3A_394, %get3A_34, %dot_general3A_395 {dimension_numbers = #tpu.dot_dimension_numbers<[1], [0], [0], [1], [0, 0, 1, 1], [], []>, transpose_lhs_hint = false} : vector<1024x52xf32>, vector<52x512xf32>, vector<1024x512xf32> -> vector<1024x512xf32>
    %slice3A_397 = vector.extract_strided_slice %concatenate3A {offsets = [0, 1408], sizes = [1024, 128], strides = [1, 1]} : vector<1024x1664xf32> to vector<1024x128xf32>
    %slice3A_398 = vector.extract_strided_slice %dot_general3A_396 {offsets = [0, 0], sizes = [1024, 128], strides = [1, 1]} : vector<1024x512xf32> to vector<1024x128xf32>
    %mul3A_399 = arith.mulf %slice3A_398, %slice3A_397 : vector<1024x128xf32>
    %add3A_400 = arith.addf %add3A_378, %mul3A_399 : vector<1024x128xf32>
    %slice3A_401 = vector.extract_strided_slice %dot_general3A_396 {offsets = [0, 128], sizes = [1024, 128], strides = [1, 1]} : vector<1024x512xf32> to vector<1024x128xf32>
    %mul3A_402 = arith.mulf %slice3A_401, %slice3A_397 : vector<1024x128xf32>
    %add3A_403 = arith.addf %add3A_390, %mul3A_402 : vector<1024x128xf32>
    %slice3A_404 = vector.extract_strided_slice %dot_general3A_396 {offsets = [0, 256], sizes = [1024, 128], strides = [1, 1]} : vector<1024x512xf32> to vector<1024x128xf32>
    %mul3A_405 = arith.mulf %slice3A_404, %slice3A_397 : vector<1024x128xf32>
    %add3A_406 = arith.addf %add3A_393, %mul3A_405 : vector<1024x128xf32>
    %slice3A_407 = vector.extract_strided_slice %dot_general3A_396 {offsets = [0, 384], sizes = [1024, 128], strides = [1, 1]} : vector<1024x512xf32> to vector<1024x128xf32>
    %mul3A_408 = arith.mulf %slice3A_407, %slice3A_397 : vector<1024x128xf32>
    %slice3A_409 = vector.extract_strided_slice %mul3A_244 {offsets = [0, 624], sizes = [1024, 52], strides = [1, 1]} : vector<1024x676xf32> to vector<1024x52xf32>
    %dot_general3A_410 = arith.constant dense<0.000000e+00> : vector<1024x256xf32>
    %dot_general3A_411 = tpu.matmul %slice3A_409, %get3A_37, %dot_general3A_410 {dimension_numbers = #tpu.dot_dimension_numbers<[1], [0], [0], [1], [0, 0, 1, 1], [], []>, transpose_lhs_hint = false} : vector<1024x52xf32>, vector<52x256xf32>, vector<1024x256xf32> -> vector<1024x256xf32>
    %slice3A_412 = vector.extract_strided_slice %concatenate3A {offsets = [0, 1536], sizes = [1024, 128], strides = [1, 1]} : vector<1024x1664xf32> to vector<1024x128xf32>
    %slice3A_413 = vector.extract_strided_slice %dot_general3A_411 {offsets = [0, 0], sizes = [1024, 128], strides = [1, 1]} : vector<1024x256xf32> to vector<1024x128xf32>
    %mul3A_414 = arith.mulf %slice3A_413, %slice3A_412 : vector<1024x128xf32>
    %add3A_415 = arith.addf %add3A_406, %mul3A_414 : vector<1024x128xf32>
    %slice3A_416 = vector.extract_strided_slice %dot_general3A_411 {offsets = [0, 128], sizes = [1024, 128], strides = [1, 1]} : vector<1024x256xf32> to vector<1024x128xf32>
    %mul3A_417 = arith.mulf %slice3A_416, %slice3A_412 : vector<1024x128xf32>
    %add3A_418 = arith.addf %mul3A_408, %mul3A_417 : vector<1024x128xf32>
    %concatenate3A_419 = tpu.concatenate %add3A_400, %add3A_339, %add3A_365, %add3A_298, %add3A_381, %add3A_323, %add3A_384, %add3A_342, %add3A_387, %add3A_371, %add3A_403, %add3A_415, %add3A_418 in 1 : vector<1024x128xf32>, vector<1024x128xf32>, vector<1024x128xf32>, vector<1024x128xf32>, vector<1024x128xf32>, vector<1024x128xf32>, vector<1024x128xf32>, vector<1024x128xf32>, vector<1024x128xf32>, vector<1024x128xf32>, vector<1024x128xf32>, vector<1024x128xf32>, vector<1024x128xf32> -> vector<1024x1664xf32>
    %get3A_420 = arith.constant 0 : index
    %get3A_421 = arith.constant 0 : index
    %get3A_422 = vector.load %arg14[%get3A_420, %get3A_421] : memref<1x1664xf32, #tpu.memory_space<vmem>>, vector<1x1664xf32>
    %add3A_423 = vector.broadcast %get3A_422 : vector<1x1664xf32> to vector<1024x1664xf32>
    %add3A_424 = arith.addf %concatenate3A_419, %add3A_423 : vector<1024x1664xf32>
    %get3A_425 = arith.constant 0 : index
    %get3A_426 = arith.constant 0 : index
    %get3A_427 = vector.load %arg15[%get3A_425, %get3A_426] : memref<1x1664xf32, #tpu.memory_space<vmem>>, vector<1x1664xf32>
    %get3A_428 = arith.constant 0 : index
    %get3A_429 = arith.constant 0 : index
    %get3A_430 = vector.load %arg16[%get3A_428, %get3A_429] : memref<1x1664xf32, #tpu.memory_space<vmem>>, vector<1x1664xf32>
    %dot_general3A_431 = arith.constant dense<0.000000e+00> : vector<1024x13xf32>
    %dot_general3A_432 = tpu.matmul %add3A_424, %get3A_61, %dot_general3A_431 {dimension_numbers = #tpu.dot_dimension_numbers<[1], [0], [0], [1], [0, 0, 1, 1], [], []>, transpose_lhs_hint = false} : vector<1024x1664xf32>, vector<1664x13xf32>, vector<1024x13xf32> -> vector<1024x13xf32>
    %dot_general3A_433 = arith.constant dense<0.000000e+00> : vector<1024x1664xf32>
    %dot_general3A_434 = tpu.matmul %dot_general3A_432, %get3A_64, %dot_general3A_433 {dimension_numbers = #tpu.dot_dimension_numbers<[1], [0], [0], [1], [0, 0, 1, 1], [], []>, transpose_lhs_hint = false} : vector<1024x13xf32>, vector<13x1664xf32>, vector<1024x1664xf32> -> vector<1024x1664xf32>
    %sub3A_435 = arith.subf %add3A_424, %dot_general3A_434 : vector<1024x1664xf32>
    %mul3A_436 = arith.mulf %sub3A_435, %sub3A_435 : vector<1024x1664xf32>
    %dot_general3A_437 = arith.constant dense<0.000000e+00> : vector<1024x13xf32>
    %dot_general3A_438 = tpu.matmul %mul3A_436, %get3A_61, %dot_general3A_437 {dimension_numbers = #tpu.dot_dimension_numbers<[1], [0], [0], [1], [0, 0, 1, 1], [], []>, transpose_lhs_hint = false} : vector<1024x1664xf32>, vector<1664x13xf32>, vector<1024x13xf32> -> vector<1024x13xf32>
    %add3A_439 = arith.constant 9.99999974E-6 : f32
    %add3A_440 = vector.broadcast %add3A_439 : f32 to vector<1024x13xf32>
    %add3A_441 = arith.addf %dot_general3A_438, %add3A_440 : vector<1024x13xf32>
    %rsqrt3A = math.rsqrt %add3A_441 : vector<1024x13xf32>
    %dot_general3A_442 = arith.constant dense<0.000000e+00> : vector<1024x1664xf32>
    %dot_general3A_443 = tpu.matmul %rsqrt3A, %get3A_64, %dot_general3A_442 {dimension_numbers = #tpu.dot_dimension_numbers<[1], [0], [0], [1], [0, 0, 1, 1], [], []>, transpose_lhs_hint = false} : vector<1024x13xf32>, vector<13x1664xf32>, vector<1024x1664xf32> -> vector<1024x1664xf32>
    %mul3A_444 = arith.mulf %sub3A_435, %dot_general3A_443 : vector<1024x1664xf32>
    %mul3A_445 = vector.broadcast %get3A_427 : vector<1x1664xf32> to vector<1024x1664xf32>
    %mul3A_446 = arith.mulf %mul3A_444, %mul3A_445 : vector<1024x1664xf32>
    %add3A_447 = vector.broadcast %get3A_430 : vector<1x1664xf32> to vector<1024x1664xf32>
    %add3A_448 = arith.addf %mul3A_446, %add3A_447 : vector<1024x1664xf32>
    %add3A_449 = arith.addf %add3A_448, %concatenate3A_212 : vector<1024x1664xf32>
    %max3A = arith.constant 0.000000e+00 : f32
    %max3A_450 = vector.broadcast %max3A : f32 to vector<1024x1664xf32>
    %max3A_451 = arith.maximumf %add3A_449, %max3A_450 : vector<1024x1664xf32>
    %get3A_452 = arith.constant 0 : index
    %get3A_453 = arith.constant 0 : index
    %get3A_454 = vector.load %arg17[%get3A_452, %get3A_453] : memref<128x128xf32, #tpu.memory_space<vmem>>, vector<128x128xf32>
    %slice3A_455 = vector.extract_strided_slice %max3A_451 {offsets = [0, 0], sizes = [1024, 128], strides = [1, 1]} : vector<1024x1664xf32> to vector<1024x128xf32>
    %dot_general3A_456 = arith.constant dense<0.000000e+00> : vector<1024x128xf32>
    %dot_general3A_457 = tpu.matmul %slice3A_455, %get3A_454, %dot_general3A_456 {dimension_numbers = #tpu.dot_dimension_numbers<[1], [0], [0], [1], [0, 0, 1, 1], [], []>, transpose_lhs_hint = false} : vector<1024x128xf32>, vector<128x128xf32>, vector<1024x128xf32> -> vector<1024x128xf32>
    %slice3A_458 = vector.extract_strided_slice %max3A_451 {offsets = [0, 128], sizes = [1024, 128], strides = [1, 1]} : vector<1024x1664xf32> to vector<1024x128xf32>
    %dot_general3A_459 = arith.constant dense<0.000000e+00> : vector<1024x128xf32>
    %dot_general3A_460 = tpu.matmul %slice3A_458, %get3A_454, %dot_general3A_459 {dimension_numbers = #tpu.dot_dimension_numbers<[1], [0], [0], [1], [0, 0, 1, 1], [], []>, transpose_lhs_hint = false} : vector<1024x128xf32>, vector<128x128xf32>, vector<1024x128xf32> -> vector<1024x128xf32>
    %slice3A_461 = vector.extract_strided_slice %max3A_451 {offsets = [0, 256], sizes = [1024, 128], strides = [1, 1]} : vector<1024x1664xf32> to vector<1024x128xf32>
    %dot_general3A_462 = arith.constant dense<0.000000e+00> : vector<1024x128xf32>
    %dot_general3A_463 = tpu.matmul %slice3A_461, %get3A_454, %dot_general3A_462 {dimension_numbers = #tpu.dot_dimension_numbers<[1], [0], [0], [1], [0, 0, 1, 1], [], []>, transpose_lhs_hint = false} : vector<1024x128xf32>, vector<128x128xf32>, vector<1024x128xf32> -> vector<1024x128xf32>
    %slice3A_464 = vector.extract_strided_slice %max3A_451 {offsets = [0, 384], sizes = [1024, 128], strides = [1, 1]} : vector<1024x1664xf32> to vector<1024x128xf32>
    %dot_general3A_465 = arith.constant dense<0.000000e+00> : vector<1024x128xf32>
    %dot_general3A_466 = tpu.matmul %slice3A_464, %get3A_454, %dot_general3A_465 {dimension_numbers = #tpu.dot_dimension_numbers<[1], [0], [0], [1], [0, 0, 1, 1], [], []>, transpose_lhs_hint = false} : vector<1024x128xf32>, vector<128x128xf32>, vector<1024x128xf32> -> vector<1024x128xf32>
    %slice3A_467 = vector.extract_strided_slice %max3A_451 {offsets = [0, 512], sizes = [1024, 128], strides = [1, 1]} : vector<1024x1664xf32> to vector<1024x128xf32>
    %dot_general3A_468 = arith.constant dense<0.000000e+00> : vector<1024x128xf32>
    %dot_general3A_469 = tpu.matmul %slice3A_467, %get3A_454, %dot_general3A_468 {dimension_numbers = #tpu.dot_dimension_numbers<[1], [0], [0], [1], [0, 0, 1, 1], [], []>, transpose_lhs_hint = false} : vector<1024x128xf32>, vector<128x128xf32>, vector<1024x128xf32> -> vector<1024x128xf32>
    %slice3A_470 = vector.extract_strided_slice %max3A_451 {offsets = [0, 640], sizes = [1024, 128], strides = [1, 1]} : vector<1024x1664xf32> to vector<1024x128xf32>
    %dot_general3A_471 = arith.constant dense<0.000000e+00> : vector<1024x128xf32>
    %dot_general3A_472 = tpu.matmul %slice3A_470, %get3A_454, %dot_general3A_471 {dimension_numbers = #tpu.dot_dimension_numbers<[1], [0], [0], [1], [0, 0, 1, 1], [], []>, transpose_lhs_hint = false} : vector<1024x128xf32>, vector<128x128xf32>, vector<1024x128xf32> -> vector<1024x128xf32>
    %slice3A_473 = vector.extract_strided_slice %max3A_451 {offsets = [0, 768], sizes = [1024, 128], strides = [1, 1]} : vector<1024x1664xf32> to vector<1024x128xf32>
    %dot_general3A_474 = arith.constant dense<0.000000e+00> : vector<1024x128xf32>
    %dot_general3A_475 = tpu.matmul %slice3A_473, %get3A_454, %dot_general3A_474 {dimension_numbers = #tpu.dot_dimension_numbers<[1], [0], [0], [1], [0, 0, 1, 1], [], []>, transpose_lhs_hint = false} : vector<1024x128xf32>, vector<128x128xf32>, vector<1024x128xf32> -> vector<1024x128xf32>
    %slice3A_476 = vector.extract_strided_slice %max3A_451 {offsets = [0, 896], sizes = [1024, 128], strides = [1, 1]} : vector<1024x1664xf32> to vector<1024x128xf32>
    %dot_general3A_477 = arith.constant dense<0.000000e+00> : vector<1024x128xf32>
    %dot_general3A_478 = tpu.matmul %slice3A_476, %get3A_454, %dot_general3A_477 {dimension_numbers = #tpu.dot_dimension_numbers<[1], [0], [0], [1], [0, 0, 1, 1], [], []>, transpose_lhs_hint = false} : vector<1024x128xf32>, vector<128x128xf32>, vector<1024x128xf32> -> vector<1024x128xf32>
    %slice3A_479 = vector.extract_strided_slice %max3A_451 {offsets = [0, 1024], sizes = [1024, 128], strides = [1, 1]} : vector<1024x1664xf32> to vector<1024x128xf32>
    %dot_general3A_480 = arith.constant dense<0.000000e+00> : vector<1024x128xf32>
    %dot_general3A_481 = tpu.matmul %slice3A_479, %get3A_454, %dot_general3A_480 {dimension_numbers = #tpu.dot_dimension_numbers<[1], [0], [0], [1], [0, 0, 1, 1], [], []>, transpose_lhs_hint = false} : vector<1024x128xf32>, vector<128x128xf32>, vector<1024x128xf32> -> vector<1024x128xf32>
    %slice3A_482 = vector.extract_strided_slice %max3A_451 {offsets = [0, 1152], sizes = [1024, 128], strides = [1, 1]} : vector<1024x1664xf32> to vector<1024x128xf32>
    %dot_general3A_483 = arith.constant dense<0.000000e+00> : vector<1024x128xf32>
    %dot_general3A_484 = tpu.matmul %slice3A_482, %get3A_454, %dot_general3A_483 {dimension_numbers = #tpu.dot_dimension_numbers<[1], [0], [0], [1], [0, 0, 1, 1], [], []>, transpose_lhs_hint = false} : vector<1024x128xf32>, vector<128x128xf32>, vector<1024x128xf32> -> vector<1024x128xf32>
    %slice3A_485 = vector.extract_strided_slice %max3A_451 {offsets = [0, 1280], sizes = [1024, 128], strides = [1, 1]} : vector<1024x1664xf32> to vector<1024x128xf32>
    %dot_general3A_486 = arith.constant dense<0.000000e+00> : vector<1024x128xf32>
    %dot_general3A_487 = tpu.matmul %slice3A_485, %get3A_454, %dot_general3A_486 {dimension_numbers = #tpu.dot_dimension_numbers<[1], [0], [0], [1], [0, 0, 1, 1], [], []>, transpose_lhs_hint = false} : vector<1024x128xf32>, vector<128x128xf32>, vector<1024x128xf32> -> vector<1024x128xf32>
    %slice3A_488 = vector.extract_strided_slice %max3A_451 {offsets = [0, 1408], sizes = [1024, 128], strides = [1, 1]} : vector<1024x1664xf32> to vector<1024x128xf32>
    %dot_general3A_489 = arith.constant dense<0.000000e+00> : vector<1024x128xf32>
    %dot_general3A_490 = tpu.matmul %slice3A_488, %get3A_454, %dot_general3A_489 {dimension_numbers = #tpu.dot_dimension_numbers<[1], [0], [0], [1], [0, 0, 1, 1], [], []>, transpose_lhs_hint = false} : vector<1024x128xf32>, vector<128x128xf32>, vector<1024x128xf32> -> vector<1024x128xf32>
    %slice3A_491 = vector.extract_strided_slice %max3A_451 {offsets = [0, 1536], sizes = [1024, 128], strides = [1, 1]} : vector<1024x1664xf32> to vector<1024x128xf32>
    %dot_general3A_492 = arith.constant dense<0.000000e+00> : vector<1024x128xf32>
    %dot_general3A_493 = tpu.matmul %slice3A_491, %get3A_454, %dot_general3A_492 {dimension_numbers = #tpu.dot_dimension_numbers<[1], [0], [0], [1], [0, 0, 1, 1], [], []>, transpose_lhs_hint = false} : vector<1024x128xf32>, vector<128x128xf32>, vector<1024x128xf32> -> vector<1024x128xf32>
    %concatenate3A_494 = tpu.concatenate %dot_general3A_457, %dot_general3A_460, %dot_general3A_463, %dot_general3A_466, %dot_general3A_469, %dot_general3A_472, %dot_general3A_475, %dot_general3A_478, %dot_general3A_481, %dot_general3A_484, %dot_general3A_487, %dot_general3A_490, %dot_general3A_493 in 1 : vector<1024x128xf32>, vector<1024x128xf32>, vector<1024x128xf32>, vector<1024x128xf32>, vector<1024x128xf32>, vector<1024x128xf32>, vector<1024x128xf32>, vector<1024x128xf32>, vector<1024x128xf32>, vector<1024x128xf32>, vector<1024x128xf32>, vector<1024x128xf32>, vector<1024x128xf32> -> vector<1024x1664xf32>
    %get3A_495 = arith.constant 0 : index
    %get3A_496 = arith.constant 0 : index
    %get3A_497 = vector.load %arg18[%get3A_495, %get3A_496] : memref<1664x104xf32, #tpu.memory_space<vmem>>, vector<1664x104xf32>
    %dot_general3A_498 = arith.constant dense<0.000000e+00> : vector<1024x104xf32>
    %dot_general3A_499 = tpu.matmul %concatenate3A_494, %get3A_497, %dot_general3A_498 {dimension_numbers = #tpu.dot_dimension_numbers<[1], [0], [0], [1], [0, 0, 1, 1], [], []>, transpose_lhs_hint = false} : vector<1024x1664xf32>, vector<1664x104xf32>, vector<1024x104xf32> -> vector<1024x104xf32>
    %dot_general3A_500 = arith.constant dense<0.000000e+00> : vector<1024x676xf32>
    %dot_general3A_501 = tpu.matmul %dot_general3A_499, %get3A_49, %dot_general3A_500 {dimension_numbers = #tpu.dot_dimension_numbers<[1], [0], [0], [1], [0, 0, 1, 1], [], []>, transpose_lhs_hint = false} : vector<1024x104xf32>, vector<104x676xf32>, vector<1024x676xf32> -> vector<1024x676xf32>
    %ge3A_502 = arith.constant 0.000000e+00 : f32
    %ge3A_503 = vector.broadcast %ge3A_502 : f32 to vector<1024x676xf32>
    %ge3A_504 = arith.cmpf oge, %dot_general3A_501, %ge3A_503 : vector<1024x676xf32>
    %mul3A_505 = arith.constant 2.000000e-01 : f32
    %mul3A_506 = vector.broadcast %mul3A_505 : f32 to vector<1024x676xf32>
    %mul3A_507 = arith.mulf %mul3A_506, %dot_general3A_501 : vector<1024x676xf32>
    %select_n3A_508 = arith.select %ge3A_504, %dot_general3A_501, %mul3A_507 : vector<1024x676xi1>, vector<1024x676xf32>
    %gt3A_509 = arith.constant 0.000000e+00 : f32
    %gt3A_510 = vector.broadcast %gt3A_509 : f32 to vector<1x676xf32>
    %gt3A_511 = arith.cmpf ogt, %get3A_58, %gt3A_510 : vector<1x676xf32>
    %jit3A_512 = arith.constant -1.000000e+30 : f32
    %broadcast_in_dim3A_513 = vector.shape_cast %gt3A_511 : vector<1x676xi1> to vector<1x676xi1>
    %broadcast_in_dim3A_514 = vector.broadcast %broadcast_in_dim3A_513 : vector<1x676xi1> to vector<1024x676xi1>
    %broadcast_in_dim3A_515 = vector.broadcast %jit3A_512 : f32 to vector<1024x676xf32>
    %select_n3A_516 = arith.select %broadcast_in_dim3A_514, %select_n3A_508, %broadcast_in_dim3A_515 : vector<1024x676xi1>, vector<1024x676xf32>
    %reduce_max3A_517 = arith.constant dense<0xFF800000> : vector<1024xf32>
    %reduce_max3A_518 = vector.multi_reduction <maximumf>, %select_n3A_516, %reduce_max3A_517 [1] : vector<1024x676xf32> to vector<1024xf32>
    %broadcast_in_dim3A_519 = vector.shape_cast %reduce_max3A_518 : vector<1024xf32> to vector<1024x1xf32>
    %sub3A_520 = vector.broadcast %broadcast_in_dim3A_519 : vector<1024x1xf32> to vector<1024x676xf32>
    %sub3A_521 = arith.subf %select_n3A_516, %sub3A_520 : vector<1024x676xf32>
    %exp3A_522 = math.exp %sub3A_521 : vector<1024x676xf32>
    %mul3A_523 = vector.broadcast %get3A_58 : vector<1x676xf32> to vector<1024x676xf32>
    %mul3A_524 = arith.mulf %exp3A_522, %mul3A_523 : vector<1024x676xf32>
    %dot_general3A_525 = arith.constant dense<0.000000e+00> : vector<1024x52xf32>
    %dot_general3A_526 = tpu.matmul %mul3A_524, %get3A_55, %dot_general3A_525 {dimension_numbers = #tpu.dot_dimension_numbers<[1], [0], [0], [1], [0, 0, 1, 1], [], []>, transpose_lhs_hint = false} : vector<1024x676xf32>, vector<676x52xf32>, vector<1024x52xf32> -> vector<1024x52xf32>
    %add3A_527 = arith.constant 1.000000e-16 : f32
    %add3A_528 = vector.broadcast %add3A_527 : f32 to vector<1024x52xf32>
    %add3A_529 = arith.addf %dot_general3A_526, %add3A_528 : vector<1024x52xf32>
    %div3A_530 = arith.constant 1.000000e+00 : f32
    %div3A_531 = vector.broadcast %div3A_530 : f32 to vector<1024x52xf32>
    %div3A_532 = arith.divf %div3A_531, %add3A_529 : vector<1024x52xf32>
    %dot_general3A_533 = arith.constant dense<0.000000e+00> : vector<1024x676xf32>
    %dot_general3A_534 = tpu.matmul %div3A_532, %get3A_52, %dot_general3A_533 {dimension_numbers = #tpu.dot_dimension_numbers<[1], [0], [0], [1], [0, 0, 1, 1], [], []>, transpose_lhs_hint = false} : vector<1024x52xf32>, vector<52x676xf32>, vector<1024x676xf32> -> vector<1024x676xf32>
    %mul3A_535 = arith.mulf %mul3A_524, %dot_general3A_534 : vector<1024x676xf32>
    %slice3A_536 = vector.extract_strided_slice %mul3A_535 {offsets = [0, 0], sizes = [1024, 52], strides = [1, 1]} : vector<1024x676xf32> to vector<1024x52xf32>
    %dot_general3A_537 = arith.constant dense<0.000000e+00> : vector<1024x896xf32>
    %dot_general3A_538 = tpu.matmul %slice3A_536, %get3A_1, %dot_general3A_537 {dimension_numbers = #tpu.dot_dimension_numbers<[1], [0], [0], [1], [0, 0, 1, 1], [], []>, transpose_lhs_hint = false} : vector<1024x52xf32>, vector<52x896xf32>, vector<1024x896xf32> -> vector<1024x896xf32>
    %slice3A_539 = vector.extract_strided_slice %concatenate3A_494 {offsets = [0, 0], sizes = [1024, 128], strides = [1, 1]} : vector<1024x1664xf32> to vector<1024x128xf32>
    %slice3A_540 = vector.extract_strided_slice %dot_general3A_538 {offsets = [0, 0], sizes = [1024, 128], strides = [1, 1]} : vector<1024x896xf32> to vector<1024x128xf32>
    %mul3A_541 = arith.mulf %slice3A_540, %slice3A_539 : vector<1024x128xf32>
    %slice3A_542 = vector.extract_strided_slice %dot_general3A_538 {offsets = [0, 128], sizes = [1024, 128], strides = [1, 1]} : vector<1024x896xf32> to vector<1024x128xf32>
    %mul3A_543 = arith.mulf %slice3A_542, %slice3A_539 : vector<1024x128xf32>
    %slice3A_544 = vector.extract_strided_slice %dot_general3A_538 {offsets = [0, 256], sizes = [1024, 128], strides = [1, 1]} : vector<1024x896xf32> to vector<1024x128xf32>
    %mul3A_545 = arith.mulf %slice3A_544, %slice3A_539 : vector<1024x128xf32>
    %slice3A_546 = vector.extract_strided_slice %dot_general3A_538 {offsets = [0, 384], sizes = [1024, 128], strides = [1, 1]} : vector<1024x896xf32> to vector<1024x128xf32>
    %mul3A_547 = arith.mulf %slice3A_546, %slice3A_539 : vector<1024x128xf32>
    %slice3A_548 = vector.extract_strided_slice %dot_general3A_538 {offsets = [0, 512], sizes = [1024, 128], strides = [1, 1]} : vector<1024x896xf32> to vector<1024x128xf32>
    %mul3A_549 = arith.mulf %slice3A_548, %slice3A_539 : vector<1024x128xf32>
    %slice3A_550 = vector.extract_strided_slice %dot_general3A_538 {offsets = [0, 640], sizes = [1024, 128], strides = [1, 1]} : vector<1024x896xf32> to vector<1024x128xf32>
    %mul3A_551 = arith.mulf %slice3A_550, %slice3A_539 : vector<1024x128xf32>
    %slice3A_552 = vector.extract_strided_slice %dot_general3A_538 {offsets = [0, 768], sizes = [1024, 128], strides = [1, 1]} : vector<1024x896xf32> to vector<1024x128xf32>
    %mul3A_553 = arith.mulf %slice3A_552, %slice3A_539 : vector<1024x128xf32>
    %slice3A_554 = vector.extract_strided_slice %mul3A_535 {offsets = [0, 52], sizes = [1024, 52], strides = [1, 1]} : vector<1024x676xf32> to vector<1024x52xf32>
    %dot_general3A_555 = arith.constant dense<0.000000e+00> : vector<1024x256xf32>
    %dot_general3A_556 = tpu.matmul %slice3A_554, %get3A_4, %dot_general3A_555 {dimension_numbers = #tpu.dot_dimension_numbers<[1], [0], [0], [1], [0, 0, 1, 1], [], []>, transpose_lhs_hint = false} : vector<1024x52xf32>, vector<52x256xf32>, vector<1024x256xf32> -> vector<1024x256xf32>
    %slice3A_557 = vector.extract_strided_slice %concatenate3A_494 {offsets = [0, 128], sizes = [1024, 128], strides = [1, 1]} : vector<1024x1664xf32> to vector<1024x128xf32>
    %slice3A_558 = vector.extract_strided_slice %dot_general3A_556 {offsets = [0, 0], sizes = [1024, 128], strides = [1, 1]} : vector<1024x256xf32> to vector<1024x128xf32>
    %mul3A_559 = arith.mulf %slice3A_558, %slice3A_557 : vector<1024x128xf32>
    %slice3A_560 = vector.extract_strided_slice %dot_general3A_556 {offsets = [0, 128], sizes = [1024, 128], strides = [1, 1]} : vector<1024x256xf32> to vector<1024x128xf32>
    %mul3A_561 = arith.mulf %slice3A_560, %slice3A_557 : vector<1024x128xf32>
    %add3A_562 = arith.addf %mul3A_547, %mul3A_561 : vector<1024x128xf32>
    %slice3A_563 = vector.extract_strided_slice %mul3A_535 {offsets = [0, 104], sizes = [1024, 52], strides = [1, 1]} : vector<1024x676xf32> to vector<1024x52xf32>
    %dot_general3A_564 = arith.constant dense<0.000000e+00> : vector<1024x256xf32>
    %dot_general3A_565 = tpu.matmul %slice3A_563, %get3A_7, %dot_general3A_564 {dimension_numbers = #tpu.dot_dimension_numbers<[1], [0], [0], [1], [0, 0, 1, 1], [], []>, transpose_lhs_hint = false} : vector<1024x52xf32>, vector<52x256xf32>, vector<1024x256xf32> -> vector<1024x256xf32>
    %slice3A_566 = vector.extract_strided_slice %concatenate3A_494 {offsets = [0, 256], sizes = [1024, 128], strides = [1, 1]} : vector<1024x1664xf32> to vector<1024x128xf32>
    %slice3A_567 = vector.extract_strided_slice %dot_general3A_565 {offsets = [0, 0], sizes = [1024, 128], strides = [1, 1]} : vector<1024x256xf32> to vector<1024x128xf32>
    %mul3A_568 = arith.mulf %slice3A_567, %slice3A_566 : vector<1024x128xf32>
    %slice3A_569 = vector.extract_strided_slice %dot_general3A_565 {offsets = [0, 128], sizes = [1024, 128], strides = [1, 1]} : vector<1024x256xf32> to vector<1024x128xf32>
    %mul3A_570 = arith.mulf %slice3A_569, %slice3A_566 : vector<1024x128xf32>
    %slice3A_571 = vector.extract_strided_slice %mul3A_535 {offsets = [0, 156], sizes = [1024, 52], strides = [1, 1]} : vector<1024x676xf32> to vector<1024x52xf32>
    %dot_general3A_572 = arith.constant dense<0.000000e+00> : vector<1024x256xf32>
    %dot_general3A_573 = tpu.matmul %slice3A_571, %get3A_10, %dot_general3A_572 {dimension_numbers = #tpu.dot_dimension_numbers<[1], [0], [0], [1], [0, 0, 1, 1], [], []>, transpose_lhs_hint = false} : vector<1024x52xf32>, vector<52x256xf32>, vector<1024x256xf32> -> vector<1024x256xf32>
    %slice3A_574 = vector.extract_strided_slice %concatenate3A_494 {offsets = [0, 384], sizes = [1024, 128], strides = [1, 1]} : vector<1024x1664xf32> to vector<1024x128xf32>
    %slice3A_575 = vector.extract_strided_slice %dot_general3A_573 {offsets = [0, 0], sizes = [1024, 128], strides = [1, 1]} : vector<1024x256xf32> to vector<1024x128xf32>
    %mul3A_576 = arith.mulf %slice3A_575, %slice3A_574 : vector<1024x128xf32>
    %slice3A_577 = vector.extract_strided_slice %dot_general3A_573 {offsets = [0, 128], sizes = [1024, 128], strides = [1, 1]} : vector<1024x256xf32> to vector<1024x128xf32>
    %mul3A_578 = arith.mulf %slice3A_577, %slice3A_574 : vector<1024x128xf32>
    %add3A_579 = arith.addf %mul3A_543, %mul3A_578 : vector<1024x128xf32>
    %slice3A_580 = vector.extract_strided_slice %mul3A_535 {offsets = [0, 208], sizes = [1024, 52], strides = [1, 1]} : vector<1024x676xf32> to vector<1024x52xf32>
    %dot_general3A_581 = arith.constant dense<0.000000e+00> : vector<1024x512xf32>
    %dot_general3A_582 = tpu.matmul %slice3A_580, %get3A_13, %dot_general3A_581 {dimension_numbers = #tpu.dot_dimension_numbers<[1], [0], [0], [1], [0, 0, 1, 1], [], []>, transpose_lhs_hint = false} : vector<1024x52xf32>, vector<52x512xf32>, vector<1024x512xf32> -> vector<1024x512xf32>
    %slice3A_583 = vector.extract_strided_slice %concatenate3A_494 {offsets = [0, 512], sizes = [1024, 128], strides = [1, 1]} : vector<1024x1664xf32> to vector<1024x128xf32>
    %slice3A_584 = vector.extract_strided_slice %dot_general3A_582 {offsets = [0, 0], sizes = [1024, 128], strides = [1, 1]} : vector<1024x512xf32> to vector<1024x128xf32>
    %mul3A_585 = arith.mulf %slice3A_584, %slice3A_583 : vector<1024x128xf32>
    %add3A_586 = arith.addf %mul3A_541, %mul3A_585 : vector<1024x128xf32>
    %slice3A_587 = vector.extract_strided_slice %dot_general3A_582 {offsets = [0, 128], sizes = [1024, 128], strides = [1, 1]} : vector<1024x512xf32> to vector<1024x128xf32>
    %mul3A_588 = arith.mulf %slice3A_587, %slice3A_583 : vector<1024x128xf32>
    %add3A_589 = arith.addf %mul3A_576, %mul3A_588 : vector<1024x128xf32>
    %slice3A_590 = vector.extract_strided_slice %dot_general3A_582 {offsets = [0, 256], sizes = [1024, 128], strides = [1, 1]} : vector<1024x512xf32> to vector<1024x128xf32>
    %mul3A_591 = arith.mulf %slice3A_590, %slice3A_583 : vector<1024x128xf32>
    %add3A_592 = arith.addf %add3A_579, %mul3A_591 : vector<1024x128xf32>
    %slice3A_593 = vector.extract_strided_slice %dot_general3A_582 {offsets = [0, 384], sizes = [1024, 128], strides = [1, 1]} : vector<1024x512xf32> to vector<1024x128xf32>
    %mul3A_594 = arith.mulf %slice3A_593, %slice3A_583 : vector<1024x128xf32>
    %add3A_595 = arith.addf %mul3A_551, %mul3A_594 : vector<1024x128xf32>
    %slice3A_596 = vector.extract_strided_slice %mul3A_535 {offsets = [0, 260], sizes = [1024, 52], strides = [1, 1]} : vector<1024x676xf32> to vector<1024x52xf32>
    %dot_general3A_597 = arith.constant dense<0.000000e+00> : vector<1024x256xf32>
    %dot_general3A_598 = tpu.matmul %slice3A_596, %get3A_16, %dot_general3A_597 {dimension_numbers = #tpu.dot_dimension_numbers<[1], [0], [0], [1], [0, 0, 1, 1], [], []>, transpose_lhs_hint = false} : vector<1024x52xf32>, vector<52x256xf32>, vector<1024x256xf32> -> vector<1024x256xf32>
    %slice3A_599 = vector.extract_strided_slice %concatenate3A_494 {offsets = [0, 640], sizes = [1024, 128], strides = [1, 1]} : vector<1024x1664xf32> to vector<1024x128xf32>
    %slice3A_600 = vector.extract_strided_slice %dot_general3A_598 {offsets = [0, 0], sizes = [1024, 128], strides = [1, 1]} : vector<1024x256xf32> to vector<1024x128xf32>
    %mul3A_601 = arith.mulf %slice3A_600, %slice3A_599 : vector<1024x128xf32>
    %slice3A_602 = vector.extract_strided_slice %dot_general3A_598 {offsets = [0, 128], sizes = [1024, 128], strides = [1, 1]} : vector<1024x256xf32> to vector<1024x128xf32>
    %mul3A_603 = arith.mulf %slice3A_602, %slice3A_599 : vector<1024x128xf32>
    %add3A_604 = arith.addf %mul3A_545, %mul3A_603 : vector<1024x128xf32>
    %slice3A_605 = vector.extract_strided_slice %mul3A_535 {offsets = [0, 312], sizes = [1024, 52], strides = [1, 1]} : vector<1024x676xf32> to vector<1024x52xf32>
    %dot_general3A_606 = arith.constant dense<0.000000e+00> : vector<1024x512xf32>
    %dot_general3A_607 = tpu.matmul %slice3A_605, %get3A_19, %dot_general3A_606 {dimension_numbers = #tpu.dot_dimension_numbers<[1], [0], [0], [1], [0, 0, 1, 1], [], []>, transpose_lhs_hint = false} : vector<1024x52xf32>, vector<52x512xf32>, vector<1024x512xf32> -> vector<1024x512xf32>
    %slice3A_608 = vector.extract_strided_slice %concatenate3A_494 {offsets = [0, 768], sizes = [1024, 128], strides = [1, 1]} : vector<1024x1664xf32> to vector<1024x128xf32>
    %slice3A_609 = vector.extract_strided_slice %dot_general3A_607 {offsets = [0, 0], sizes = [1024, 128], strides = [1, 1]} : vector<1024x512xf32> to vector<1024x128xf32>
    %mul3A_610 = arith.mulf %slice3A_609, %slice3A_608 : vector<1024x128xf32>
    %add3A_611 = arith.addf %add3A_586, %mul3A_610 : vector<1024x128xf32>
    %slice3A_612 = vector.extract_strided_slice %dot_general3A_607 {offsets = [0, 128], sizes = [1024, 128], strides = [1, 1]} : vector<1024x512xf32> to vector<1024x128xf32>
    %mul3A_613 = arith.mulf %slice3A_612, %slice3A_608 : vector<1024x128xf32>
    %add3A_614 = arith.addf %mul3A_601, %mul3A_613 : vector<1024x128xf32>
    %slice3A_615 = vector.extract_strided_slice %dot_general3A_607 {offsets = [0, 256], sizes = [1024, 128], strides = [1, 1]} : vector<1024x512xf32> to vector<1024x128xf32>
    %mul3A_616 = arith.mulf %slice3A_615, %slice3A_608 : vector<1024x128xf32>
    %add3A_617 = arith.addf %add3A_604, %mul3A_616 : vector<1024x128xf32>
    %slice3A_618 = vector.extract_strided_slice %dot_general3A_607 {offsets = [0, 384], sizes = [1024, 128], strides = [1, 1]} : vector<1024x512xf32> to vector<1024x128xf32>
    %mul3A_619 = arith.mulf %slice3A_618, %slice3A_608 : vector<1024x128xf32>
    %add3A_620 = arith.addf %add3A_595, %mul3A_619 : vector<1024x128xf32>
    %slice3A_621 = vector.extract_strided_slice %mul3A_535 {offsets = [0, 364], sizes = [1024, 52], strides = [1, 1]} : vector<1024x676xf32> to vector<1024x52xf32>
    %dot_general3A_622 = arith.constant dense<0.000000e+00> : vector<1024x384xf32>
    %dot_general3A_623 = tpu.matmul %slice3A_621, %get3A_22, %dot_general3A_622 {dimension_numbers = #tpu.dot_dimension_numbers<[1], [0], [0], [1], [0, 0, 1, 1], [], []>, transpose_lhs_hint = false} : vector<1024x52xf32>, vector<52x384xf32>, vector<1024x384xf32> -> vector<1024x384xf32>
    %slice3A_624 = vector.extract_strided_slice %concatenate3A_494 {offsets = [0, 896], sizes = [1024, 128], strides = [1, 1]} : vector<1024x1664xf32> to vector<1024x128xf32>
    %slice3A_625 = vector.extract_strided_slice %dot_general3A_623 {offsets = [0, 0], sizes = [1024, 128], strides = [1, 1]} : vector<1024x384xf32> to vector<1024x128xf32>
    %mul3A_626 = arith.mulf %slice3A_625, %slice3A_624 : vector<1024x128xf32>
    %add3A_627 = arith.addf %add3A_611, %mul3A_626 : vector<1024x128xf32>
    %slice3A_628 = vector.extract_strided_slice %dot_general3A_623 {offsets = [0, 128], sizes = [1024, 128], strides = [1, 1]} : vector<1024x384xf32> to vector<1024x128xf32>
    %mul3A_629 = arith.mulf %slice3A_628, %slice3A_624 : vector<1024x128xf32>
    %add3A_630 = arith.addf %mul3A_559, %mul3A_629 : vector<1024x128xf32>
    %slice3A_631 = vector.extract_strided_slice %dot_general3A_623 {offsets = [0, 256], sizes = [1024, 128], strides = [1, 1]} : vector<1024x384xf32> to vector<1024x128xf32>
    %mul3A_632 = arith.mulf %slice3A_631, %slice3A_624 : vector<1024x128xf32>
    %add3A_633 = arith.addf %add3A_562, %mul3A_632 : vector<1024x128xf32>
    %slice3A_634 = vector.extract_strided_slice %mul3A_535 {offsets = [0, 416], sizes = [1024, 52], strides = [1, 1]} : vector<1024x676xf32> to vector<1024x52xf32>
    %dot_general3A_635 = arith.constant dense<0.000000e+00> : vector<1024x512xf32>
    %dot_general3A_636 = tpu.matmul %slice3A_634, %get3A_25, %dot_general3A_635 {dimension_numbers = #tpu.dot_dimension_numbers<[1], [0], [0], [1], [0, 0, 1, 1], [], []>, transpose_lhs_hint = false} : vector<1024x52xf32>, vector<52x512xf32>, vector<1024x512xf32> -> vector<1024x512xf32>
    %slice3A_637 = vector.extract_strided_slice %concatenate3A_494 {offsets = [0, 1024], sizes = [1024, 128], strides = [1, 1]} : vector<1024x1664xf32> to vector<1024x128xf32>
    %slice3A_638 = vector.extract_strided_slice %dot_general3A_636 {offsets = [0, 0], sizes = [1024, 128], strides = [1, 1]} : vector<1024x512xf32> to vector<1024x128xf32>
    %mul3A_639 = arith.mulf %slice3A_638, %slice3A_637 : vector<1024x128xf32>
    %add3A_640 = arith.addf %add3A_627, %mul3A_639 : vector<1024x128xf32>
    %slice3A_641 = vector.extract_strided_slice %dot_general3A_636 {offsets = [0, 128], sizes = [1024, 128], strides = [1, 1]} : vector<1024x512xf32> to vector<1024x128xf32>
    %mul3A_642 = arith.mulf %slice3A_641, %slice3A_637 : vector<1024x128xf32>
    %add3A_643 = arith.addf %mul3A_549, %mul3A_642 : vector<1024x128xf32>
    %slice3A_644 = vector.extract_strided_slice %dot_general3A_636 {offsets = [0, 256], sizes = [1024, 128], strides = [1, 1]} : vector<1024x512xf32> to vector<1024x128xf32>
    %mul3A_645 = arith.mulf %slice3A_644, %slice3A_637 : vector<1024x128xf32>
    %add3A_646 = arith.addf %mul3A_570, %mul3A_645 : vector<1024x128xf32>
    %slice3A_647 = vector.extract_strided_slice %dot_general3A_636 {offsets = [0, 384], sizes = [1024, 128], strides = [1, 1]} : vector<1024x512xf32> to vector<1024x128xf32>
    %mul3A_648 = arith.mulf %slice3A_647, %slice3A_637 : vector<1024x128xf32>
    %add3A_649 = arith.addf %add3A_620, %mul3A_648 : vector<1024x128xf32>
    %slice3A_650 = vector.extract_strided_slice %mul3A_535 {offsets = [0, 468], sizes = [1024, 52], strides = [1, 1]} : vector<1024x676xf32> to vector<1024x52xf32>
    %dot_general3A_651 = arith.constant dense<0.000000e+00> : vector<1024x384xf32>
    %dot_general3A_652 = tpu.matmul %slice3A_650, %get3A_28, %dot_general3A_651 {dimension_numbers = #tpu.dot_dimension_numbers<[1], [0], [0], [1], [0, 0, 1, 1], [], []>, transpose_lhs_hint = false} : vector<1024x52xf32>, vector<52x384xf32>, vector<1024x384xf32> -> vector<1024x384xf32>
    %slice3A_653 = vector.extract_strided_slice %concatenate3A_494 {offsets = [0, 1152], sizes = [1024, 128], strides = [1, 1]} : vector<1024x1664xf32> to vector<1024x128xf32>
    %slice3A_654 = vector.extract_strided_slice %dot_general3A_652 {offsets = [0, 0], sizes = [1024, 128], strides = [1, 1]} : vector<1024x384xf32> to vector<1024x128xf32>
    %mul3A_655 = arith.mulf %slice3A_654, %slice3A_653 : vector<1024x128xf32>
    %add3A_656 = arith.addf %mul3A_568, %mul3A_655 : vector<1024x128xf32>
    %slice3A_657 = vector.extract_strided_slice %dot_general3A_652 {offsets = [0, 128], sizes = [1024, 128], strides = [1, 1]} : vector<1024x384xf32> to vector<1024x128xf32>
    %mul3A_658 = arith.mulf %slice3A_657, %slice3A_653 : vector<1024x128xf32>
    %add3A_659 = arith.addf %add3A_643, %mul3A_658 : vector<1024x128xf32>
    %slice3A_660 = vector.extract_strided_slice %dot_general3A_652 {offsets = [0, 256], sizes = [1024, 128], strides = [1, 1]} : vector<1024x384xf32> to vector<1024x128xf32>
    %mul3A_661 = arith.mulf %slice3A_660, %slice3A_653 : vector<1024x128xf32>
    %add3A_662 = arith.addf %add3A_646, %mul3A_661 : vector<1024x128xf32>
    %slice3A_663 = vector.extract_strided_slice %mul3A_535 {offsets = [0, 520], sizes = [1024, 52], strides = [1, 1]} : vector<1024x676xf32> to vector<1024x52xf32>
    %dot_general3A_664 = arith.constant dense<0.000000e+00> : vector<1024x768xf32>
    %dot_general3A_665 = tpu.matmul %slice3A_663, %get3A_31, %dot_general3A_664 {dimension_numbers = #tpu.dot_dimension_numbers<[1], [0], [0], [1], [0, 0, 1, 1], [], []>, transpose_lhs_hint = false} : vector<1024x52xf32>, vector<52x768xf32>, vector<1024x768xf32> -> vector<1024x768xf32>
    %slice3A_666 = vector.extract_strided_slice %concatenate3A_494 {offsets = [0, 1280], sizes = [1024, 128], strides = [1, 1]} : vector<1024x1664xf32> to vector<1024x128xf32>
    %slice3A_667 = vector.extract_strided_slice %dot_general3A_665 {offsets = [0, 0], sizes = [1024, 128], strides = [1, 1]} : vector<1024x768xf32> to vector<1024x128xf32>
    %mul3A_668 = arith.mulf %slice3A_667, %slice3A_666 : vector<1024x128xf32>
    %add3A_669 = arith.addf %add3A_640, %mul3A_668 : vector<1024x128xf32>
    %slice3A_670 = vector.extract_strided_slice %dot_general3A_665 {offsets = [0, 128], sizes = [1024, 128], strides = [1, 1]} : vector<1024x768xf32> to vector<1024x128xf32>
    %mul3A_671 = arith.mulf %slice3A_670, %slice3A_666 : vector<1024x128xf32>
    %add3A_672 = arith.addf %add3A_592, %mul3A_671 : vector<1024x128xf32>
    %slice3A_673 = vector.extract_strided_slice %dot_general3A_665 {offsets = [0, 256], sizes = [1024, 128], strides = [1, 1]} : vector<1024x768xf32> to vector<1024x128xf32>
    %mul3A_674 = arith.mulf %slice3A_673, %slice3A_666 : vector<1024x128xf32>
    %add3A_675 = arith.addf %add3A_617, %mul3A_674 : vector<1024x128xf32>
    %slice3A_676 = vector.extract_strided_slice %dot_general3A_665 {offsets = [0, 384], sizes = [1024, 128], strides = [1, 1]} : vector<1024x768xf32> to vector<1024x128xf32>
    %mul3A_677 = arith.mulf %slice3A_676, %slice3A_666 : vector<1024x128xf32>
    %add3A_678 = arith.addf %add3A_659, %mul3A_677 : vector<1024x128xf32>
    %slice3A_679 = vector.extract_strided_slice %dot_general3A_665 {offsets = [0, 512], sizes = [1024, 128], strides = [1, 1]} : vector<1024x768xf32> to vector<1024x128xf32>
    %mul3A_680 = arith.mulf %slice3A_679, %slice3A_666 : vector<1024x128xf32>
    %add3A_681 = arith.addf %add3A_649, %mul3A_680 : vector<1024x128xf32>
    %slice3A_682 = vector.extract_strided_slice %dot_general3A_665 {offsets = [0, 640], sizes = [1024, 128], strides = [1, 1]} : vector<1024x768xf32> to vector<1024x128xf32>
    %mul3A_683 = arith.mulf %slice3A_682, %slice3A_666 : vector<1024x128xf32>
    %add3A_684 = arith.addf %mul3A_553, %mul3A_683 : vector<1024x128xf32>
    %slice3A_685 = vector.extract_strided_slice %mul3A_535 {offsets = [0, 572], sizes = [1024, 52], strides = [1, 1]} : vector<1024x676xf32> to vector<1024x52xf32>
    %dot_general3A_686 = arith.constant dense<0.000000e+00> : vector<1024x512xf32>
    %dot_general3A_687 = tpu.matmul %slice3A_685, %get3A_34, %dot_general3A_686 {dimension_numbers = #tpu.dot_dimension_numbers<[1], [0], [0], [1], [0, 0, 1, 1], [], []>, transpose_lhs_hint = false} : vector<1024x52xf32>, vector<52x512xf32>, vector<1024x512xf32> -> vector<1024x512xf32>
    %slice3A_688 = vector.extract_strided_slice %concatenate3A_494 {offsets = [0, 1408], sizes = [1024, 128], strides = [1, 1]} : vector<1024x1664xf32> to vector<1024x128xf32>
    %slice3A_689 = vector.extract_strided_slice %dot_general3A_687 {offsets = [0, 0], sizes = [1024, 128], strides = [1, 1]} : vector<1024x512xf32> to vector<1024x128xf32>
    %mul3A_690 = arith.mulf %slice3A_689, %slice3A_688 : vector<1024x128xf32>
    %add3A_691 = arith.addf %add3A_669, %mul3A_690 : vector<1024x128xf32>
    %slice3A_692 = vector.extract_strided_slice %dot_general3A_687 {offsets = [0, 128], sizes = [1024, 128], strides = [1, 1]} : vector<1024x512xf32> to vector<1024x128xf32>
    %mul3A_693 = arith.mulf %slice3A_692, %slice3A_688 : vector<1024x128xf32>
    %add3A_694 = arith.addf %add3A_681, %mul3A_693 : vector<1024x128xf32>
    %slice3A_695 = vector.extract_strided_slice %dot_general3A_687 {offsets = [0, 256], sizes = [1024, 128], strides = [1, 1]} : vector<1024x512xf32> to vector<1024x128xf32>
    %mul3A_696 = arith.mulf %slice3A_695, %slice3A_688 : vector<1024x128xf32>
    %add3A_697 = arith.addf %add3A_684, %mul3A_696 : vector<1024x128xf32>
    %slice3A_698 = vector.extract_strided_slice %dot_general3A_687 {offsets = [0, 384], sizes = [1024, 128], strides = [1, 1]} : vector<1024x512xf32> to vector<1024x128xf32>
    %mul3A_699 = arith.mulf %slice3A_698, %slice3A_688 : vector<1024x128xf32>
    %slice3A_700 = vector.extract_strided_slice %mul3A_535 {offsets = [0, 624], sizes = [1024, 52], strides = [1, 1]} : vector<1024x676xf32> to vector<1024x52xf32>
    %dot_general3A_701 = arith.constant dense<0.000000e+00> : vector<1024x256xf32>
    %dot_general3A_702 = tpu.matmul %slice3A_700, %get3A_37, %dot_general3A_701 {dimension_numbers = #tpu.dot_dimension_numbers<[1], [0], [0], [1], [0, 0, 1, 1], [], []>, transpose_lhs_hint = false} : vector<1024x52xf32>, vector<52x256xf32>, vector<1024x256xf32> -> vector<1024x256xf32>
    %slice3A_703 = vector.extract_strided_slice %concatenate3A_494 {offsets = [0, 1536], sizes = [1024, 128], strides = [1, 1]} : vector<1024x1664xf32> to vector<1024x128xf32>
    %slice3A_704 = vector.extract_strided_slice %dot_general3A_702 {offsets = [0, 0], sizes = [1024, 128], strides = [1, 1]} : vector<1024x256xf32> to vector<1024x128xf32>
    %mul3A_705 = arith.mulf %slice3A_704, %slice3A_703 : vector<1024x128xf32>
    %add3A_706 = arith.addf %add3A_697, %mul3A_705 : vector<1024x128xf32>
    %slice3A_707 = vector.extract_strided_slice %dot_general3A_702 {offsets = [0, 128], sizes = [1024, 128], strides = [1, 1]} : vector<1024x256xf32> to vector<1024x128xf32>
    %mul3A_708 = arith.mulf %slice3A_707, %slice3A_703 : vector<1024x128xf32>
    %add3A_709 = arith.addf %mul3A_699, %mul3A_708 : vector<1024x128xf32>
    %concatenate3A_710 = tpu.concatenate %add3A_691, %add3A_630, %add3A_656, %add3A_589, %add3A_672, %add3A_614, %add3A_675, %add3A_633, %add3A_678, %add3A_662, %add3A_694, %add3A_706, %add3A_709 in 1 : vector<1024x128xf32>, vector<1024x128xf32>, vector<1024x128xf32>, vector<1024x128xf32>, vector<1024x128xf32>, vector<1024x128xf32>, vector<1024x128xf32>, vector<1024x128xf32>, vector<1024x128xf32>, vector<1024x128xf32>, vector<1024x128xf32>, vector<1024x128xf32>, vector<1024x128xf32> -> vector<1024x1664xf32>
    %get3A_711 = arith.constant 0 : index
    %get3A_712 = arith.constant 0 : index
    %get3A_713 = vector.load %arg19[%get3A_711, %get3A_712] : memref<1x1664xf32, #tpu.memory_space<vmem>>, vector<1x1664xf32>
    %add3A_714 = vector.broadcast %get3A_713 : vector<1x1664xf32> to vector<1024x1664xf32>
    %add3A_715 = arith.addf %concatenate3A_710, %add3A_714 : vector<1024x1664xf32>
    %get3A_716 = arith.constant 0 : index
    %get3A_717 = arith.constant 0 : index
    %get3A_718 = vector.load %arg20[%get3A_716, %get3A_717] : memref<1x1664xf32, #tpu.memory_space<vmem>>, vector<1x1664xf32>
    %get3A_719 = arith.constant 0 : index
    %get3A_720 = arith.constant 0 : index
    %get3A_721 = vector.load %arg21[%get3A_719, %get3A_720] : memref<1x1664xf32, #tpu.memory_space<vmem>>, vector<1x1664xf32>
    %dot_general3A_722 = arith.constant dense<0.000000e+00> : vector<1024x13xf32>
    %dot_general3A_723 = tpu.matmul %add3A_715, %get3A_61, %dot_general3A_722 {dimension_numbers = #tpu.dot_dimension_numbers<[1], [0], [0], [1], [0, 0, 1, 1], [], []>, transpose_lhs_hint = false} : vector<1024x1664xf32>, vector<1664x13xf32>, vector<1024x13xf32> -> vector<1024x13xf32>
    %dot_general3A_724 = arith.constant dense<0.000000e+00> : vector<1024x1664xf32>
    %dot_general3A_725 = tpu.matmul %dot_general3A_723, %get3A_64, %dot_general3A_724 {dimension_numbers = #tpu.dot_dimension_numbers<[1], [0], [0], [1], [0, 0, 1, 1], [], []>, transpose_lhs_hint = false} : vector<1024x13xf32>, vector<13x1664xf32>, vector<1024x1664xf32> -> vector<1024x1664xf32>
    %sub3A_726 = arith.subf %add3A_715, %dot_general3A_725 : vector<1024x1664xf32>
    %mul3A_727 = arith.mulf %sub3A_726, %sub3A_726 : vector<1024x1664xf32>
    %dot_general3A_728 = arith.constant dense<0.000000e+00> : vector<1024x13xf32>
    %dot_general3A_729 = tpu.matmul %mul3A_727, %get3A_61, %dot_general3A_728 {dimension_numbers = #tpu.dot_dimension_numbers<[1], [0], [0], [1], [0, 0, 1, 1], [], []>, transpose_lhs_hint = false} : vector<1024x1664xf32>, vector<1664x13xf32>, vector<1024x13xf32> -> vector<1024x13xf32>
    %add3A_730 = arith.constant 9.99999974E-6 : f32
    %add3A_731 = vector.broadcast %add3A_730 : f32 to vector<1024x13xf32>
    %add3A_732 = arith.addf %dot_general3A_729, %add3A_731 : vector<1024x13xf32>
    %rsqrt3A_733 = math.rsqrt %add3A_732 : vector<1024x13xf32>
    %dot_general3A_734 = arith.constant dense<0.000000e+00> : vector<1024x1664xf32>
    %dot_general3A_735 = tpu.matmul %rsqrt3A_733, %get3A_64, %dot_general3A_734 {dimension_numbers = #tpu.dot_dimension_numbers<[1], [0], [0], [1], [0, 0, 1, 1], [], []>, transpose_lhs_hint = false} : vector<1024x13xf32>, vector<13x1664xf32>, vector<1024x1664xf32> -> vector<1024x1664xf32>
    %mul3A_736 = arith.mulf %sub3A_726, %dot_general3A_735 : vector<1024x1664xf32>
    %mul3A_737 = vector.broadcast %get3A_718 : vector<1x1664xf32> to vector<1024x1664xf32>
    %mul3A_738 = arith.mulf %mul3A_736, %mul3A_737 : vector<1024x1664xf32>
    %add3A_739 = vector.broadcast %get3A_721 : vector<1x1664xf32> to vector<1024x1664xf32>
    %add3A_740 = arith.addf %mul3A_738, %add3A_739 : vector<1024x1664xf32>
    %add3A_741 = arith.addf %add3A_740, %max3A_451 : vector<1024x1664xf32>
    %max3A_742 = arith.constant 0.000000e+00 : f32
    %max3A_743 = vector.broadcast %max3A_742 : f32 to vector<1024x1664xf32>
    %max3A_744 = arith.maximumf %add3A_741, %max3A_743 : vector<1024x1664xf32>
    %slice3A_745 = vector.extract_strided_slice %max3A_744 {offsets = [0, 0], sizes = [1024, 128], strides = [1, 1]} : vector<1024x1664xf32> to vector<1024x128xf32>
    %slice3A_746 = vector.extract_strided_slice %max3A_744 {offsets = [0, 128], sizes = [1024, 128], strides = [1, 1]} : vector<1024x1664xf32> to vector<1024x128xf32>
    %add3A_747 = arith.addf %slice3A_745, %slice3A_746 : vector<1024x128xf32>
    %slice3A_748 = vector.extract_strided_slice %max3A_744 {offsets = [0, 256], sizes = [1024, 128], strides = [1, 1]} : vector<1024x1664xf32> to vector<1024x128xf32>
    %add3A_749 = arith.addf %add3A_747, %slice3A_748 : vector<1024x128xf32>
    %slice3A_750 = vector.extract_strided_slice %max3A_744 {offsets = [0, 384], sizes = [1024, 128], strides = [1, 1]} : vector<1024x1664xf32> to vector<1024x128xf32>
    %add3A_751 = arith.addf %add3A_749, %slice3A_750 : vector<1024x128xf32>
    %slice3A_752 = vector.extract_strided_slice %max3A_744 {offsets = [0, 512], sizes = [1024, 128], strides = [1, 1]} : vector<1024x1664xf32> to vector<1024x128xf32>
    %add3A_753 = arith.addf %add3A_751, %slice3A_752 : vector<1024x128xf32>
    %slice3A_754 = vector.extract_strided_slice %max3A_744 {offsets = [0, 640], sizes = [1024, 128], strides = [1, 1]} : vector<1024x1664xf32> to vector<1024x128xf32>
    %add3A_755 = arith.addf %add3A_753, %slice3A_754 : vector<1024x128xf32>
    %slice3A_756 = vector.extract_strided_slice %max3A_744 {offsets = [0, 768], sizes = [1024, 128], strides = [1, 1]} : vector<1024x1664xf32> to vector<1024x128xf32>
    %add3A_757 = arith.addf %add3A_755, %slice3A_756 : vector<1024x128xf32>
    %slice3A_758 = vector.extract_strided_slice %max3A_744 {offsets = [0, 896], sizes = [1024, 128], strides = [1, 1]} : vector<1024x1664xf32> to vector<1024x128xf32>
    %add3A_759 = arith.addf %add3A_757, %slice3A_758 : vector<1024x128xf32>
    %slice3A_760 = vector.extract_strided_slice %max3A_744 {offsets = [0, 1024], sizes = [1024, 128], strides = [1, 1]} : vector<1024x1664xf32> to vector<1024x128xf32>
    %add3A_761 = arith.addf %add3A_759, %slice3A_760 : vector<1024x128xf32>
    %slice3A_762 = vector.extract_strided_slice %max3A_744 {offsets = [0, 1152], sizes = [1024, 128], strides = [1, 1]} : vector<1024x1664xf32> to vector<1024x128xf32>
    %add3A_763 = arith.addf %add3A_761, %slice3A_762 : vector<1024x128xf32>
    %slice3A_764 = vector.extract_strided_slice %max3A_744 {offsets = [0, 1280], sizes = [1024, 128], strides = [1, 1]} : vector<1024x1664xf32> to vector<1024x128xf32>
    %add3A_765 = arith.addf %add3A_763, %slice3A_764 : vector<1024x128xf32>
    %slice3A_766 = vector.extract_strided_slice %max3A_744 {offsets = [0, 1408], sizes = [1024, 128], strides = [1, 1]} : vector<1024x1664xf32> to vector<1024x128xf32>
    %add3A_767 = arith.addf %add3A_765, %slice3A_766 : vector<1024x128xf32>
    %slice3A_768 = vector.extract_strided_slice %max3A_744 {offsets = [0, 1536], sizes = [1024, 128], strides = [1, 1]} : vector<1024x1664xf32> to vector<1024x128xf32>
    %add3A_769 = arith.addf %add3A_767, %slice3A_768 : vector<1024x128xf32>
    %mul3A_770 = arith.constant 0.0769230798 : f32
    %mul3A_771 = vector.broadcast %mul3A_770 : f32 to vector<1024x128xf32>
    %mul3A_772 = arith.mulf %add3A_769, %mul3A_771 : vector<1024x128xf32>
    %get3A_773 = arith.constant 0 : index
    %get3A_774 = arith.constant 0 : index
    %get3A_775 = vector.load %arg4[%get3A_773, %get3A_774] : memref<13x128xf32, #tpu.memory_space<vmem>>, vector<13x128xf32>
    %dot_general3A_776 = arith.constant dense<0.000000e+00> : vector<1024x128xf32>
    %dot_general3A_777 = tpu.matmul %reshape3A, %get3A_775, %dot_general3A_776 {dimension_numbers = #tpu.dot_dimension_numbers<[1], [0], [0], [1], [0, 0, 1, 1], [], []>, transpose_lhs_hint = false} : vector<1024x13xf32>, vector<13x128xf32>, vector<1024x128xf32> -> vector<1024x128xf32>
    %get3A_778 = arith.constant 0 : index
    %get3A_779 = arith.constant 0 : index
    %get3A_780 = vector.load %arg5[%get3A_778, %get3A_779] : memref<1x128xf32, #tpu.memory_space<vmem>>, vector<1x128xf32>
    %add3A_781 = vector.broadcast %get3A_780 : vector<1x128xf32> to vector<1024x128xf32>
    %add3A_782 = arith.addf %dot_general3A_777, %add3A_781 : vector<1024x128xf32>
    %mul3A_783 = arith.constant 5.000000e-01 : f32
    %mul3A_784 = vector.broadcast %mul3A_783 : f32 to vector<1024x128xf32>
    %mul3A_785 = arith.mulf %mul3A_784, %add3A_782 : vector<1024x128xf32>
    %mul3A_786 = arith.constant 0.707106769 : f32
    %mul3A_787 = vector.broadcast %mul3A_786 : f32 to vector<1024x128xf32>
    %mul3A_788 = arith.mulf %add3A_782, %mul3A_787 : vector<1024x128xf32>
    %abs3A = math.absf %mul3A_788 : vector<1024x128xf32>
    %mul3A_789 = arith.constant 0.327591091 : f32
    %mul3A_790 = vector.broadcast %mul3A_789 : f32 to vector<1024x128xf32>
    %mul3A_791 = arith.mulf %mul3A_790, %abs3A : vector<1024x128xf32>
    %add3A_792 = arith.constant 1.000000e+00 : f32
    %add3A_793 = vector.broadcast %add3A_792 : f32 to vector<1024x128xf32>
    %add3A_794 = arith.addf %add3A_793, %mul3A_791 : vector<1024x128xf32>
    %div3A_795 = arith.constant 1.000000e+00 : f32
    %div3A_796 = vector.broadcast %div3A_795 : f32 to vector<1024x128xf32>
    %div3A_797 = arith.divf %div3A_796, %add3A_794 : vector<1024x128xf32>
    %mul3A_798 = arith.constant 1.06140542 : f32
    %mul3A_799 = vector.broadcast %mul3A_798 : f32 to vector<1024x128xf32>
    %mul3A_800 = arith.mulf %div3A_797, %mul3A_799 : vector<1024x128xf32>
    %add3A_801 = arith.constant -1.45315206 : f32
    %add3A_802 = vector.broadcast %add3A_801 : f32 to vector<1024x128xf32>
    %add3A_803 = arith.addf %add3A_802, %mul3A_800 : vector<1024x128xf32>
    %mul3A_804 = arith.mulf %div3A_797, %add3A_803 : vector<1024x128xf32>
    %add3A_805 = arith.constant 1.42141378 : f32
    %add3A_806 = vector.broadcast %add3A_805 : f32 to vector<1024x128xf32>
    %add3A_807 = arith.addf %add3A_806, %mul3A_804 : vector<1024x128xf32>
    %mul3A_808 = arith.mulf %div3A_797, %add3A_807 : vector<1024x128xf32>
    %add3A_809 = arith.constant -0.284496725 : f32
    %add3A_810 = vector.broadcast %add3A_809 : f32 to vector<1024x128xf32>
    %add3A_811 = arith.addf %add3A_810, %mul3A_808 : vector<1024x128xf32>
    %mul3A_812 = arith.mulf %div3A_797, %add3A_811 : vector<1024x128xf32>
    %add3A_813 = arith.constant 0.254829586 : f32
    %add3A_814 = vector.broadcast %add3A_813 : f32 to vector<1024x128xf32>
    %add3A_815 = arith.addf %add3A_814, %mul3A_812 : vector<1024x128xf32>
    %mul3A_816 = arith.mulf %div3A_797, %add3A_815 : vector<1024x128xf32>
    %neg3A = arith.constant 0.000000e+00 : f32
    %neg3A_817 = vector.broadcast %neg3A : f32 to vector<1024x128xf32>
    %neg3A_818 = arith.subf %neg3A_817, %abs3A : vector<1024x128xf32>
    %mul3A_819 = arith.mulf %neg3A_818, %abs3A : vector<1024x128xf32>
    %exp3A_820 = math.exp %mul3A_819 : vector<1024x128xf32>
    %mul3A_821 = arith.mulf %mul3A_816, %exp3A_820 : vector<1024x128xf32>
    %sub3A_822 = arith.constant 1.000000e+00 : f32
    %sub3A_823 = vector.broadcast %sub3A_822 : f32 to vector<1024x128xf32>
    %sub3A_824 = arith.subf %sub3A_823, %mul3A_821 : vector<1024x128xf32>
    %sign3A = tpu.bitcast %mul3A_788 : vector<1024x128xf32> -> vector<1024x128xi32>
    %sign3A_825 = arith.constant -2147483648 : i32
    %sign3A_826 = vector.broadcast %sign3A_825 : i32 to vector<1024x128xi32>
    %sign3A_827 = arith.andi %sign3A, %sign3A_826 : vector<1024x128xi32>
    %sign3A_828 = arith.constant 1065353216 : i32
    %sign3A_829 = vector.broadcast %sign3A_828 : i32 to vector<1024x128xi32>
    %sign3A_830 = arith.ori %sign3A_829, %sign3A_827 : vector<1024x128xi32>
    %sign3A_831 = tpu.bitcast %sign3A_830 : vector<1024x128xi32> -> vector<1024x128xf32>
    %sign3A_832 = math.absf %mul3A_788 : vector<1024x128xf32>
    %sign3A_833 = arith.constant 0.000000e+00 : f32
    %sign3A_834 = vector.broadcast %sign3A_833 : f32 to vector<1024x128xf32>
    %sign3A_835 = arith.cmpf ogt, %sign3A_832, %sign3A_834 : vector<1024x128xf32>
    %sign3A_836 = arith.select %sign3A_835, %sign3A_831, %mul3A_788 : vector<1024x128xi1>, vector<1024x128xf32>
    %mul3A_837 = arith.mulf %sign3A_836, %sub3A_824 : vector<1024x128xf32>
    %add3A_838 = arith.constant 1.000000e+00 : f32
    %add3A_839 = vector.broadcast %add3A_838 : f32 to vector<1024x128xf32>
    %add3A_840 = arith.addf %add3A_839, %mul3A_837 : vector<1024x128xf32>
    %mul3A_841 = arith.mulf %mul3A_785, %add3A_840 : vector<1024x128xf32>
    %concatenate3A_842 = tpu.concatenate %mul3A_841, %mul3A_772 in 1 : vector<1024x128xf32>, vector<1024x128xf32> -> vector<1024x256xf32>
    %get3A_843 = arith.constant 0 : index
    %get3A_844 = arith.constant 0 : index
    %get3A_845 = vector.load %arg22[%get3A_843, %get3A_844] : memref<256x256xf32, #tpu.memory_space<vmem>>, vector<256x256xf32>
    %dot_general3A_846 = arith.constant dense<0.000000e+00> : vector<1024x256xf32>
    %dot_general3A_847 = tpu.matmul %concatenate3A_842, %get3A_845, %dot_general3A_846 {dimension_numbers = #tpu.dot_dimension_numbers<[1], [0], [0], [1], [0, 0, 1, 1], [], []>, transpose_lhs_hint = false} : vector<1024x256xf32>, vector<256x256xf32>, vector<1024x256xf32> -> vector<1024x256xf32>
    %get3A_848 = arith.constant 0 : index
    %get3A_849 = arith.constant 0 : index
    %get3A_850 = vector.load %arg23[%get3A_848, %get3A_849] : memref<1x256xf32, #tpu.memory_space<vmem>>, vector<1x256xf32>
    %add3A_851 = vector.broadcast %get3A_850 : vector<1x256xf32> to vector<1024x256xf32>
    %add3A_852 = arith.addf %dot_general3A_847, %add3A_851 : vector<1024x256xf32>
    %logistic3A = arith.negf %add3A_852 : vector<1024x256xf32>
    %logistic3A_853 = math.exp %logistic3A : vector<1024x256xf32>
    %logistic3A_854 = arith.constant 1.000000e+00 : f32
    %logistic3A_855 = vector.broadcast %logistic3A_854 : f32 to vector<1024x256xf32>
    %logistic3A_856 = arith.addf %logistic3A_855, %logistic3A_853 : vector<1024x256xf32>
    %logistic3A_857 = arith.divf %logistic3A_855, %logistic3A_856 : vector<1024x256xf32>
    %mul3A_858 = arith.mulf %logistic3A_857, %concatenate3A_842 : vector<1024x256xf32>
    %reshape3A_859 = vector.shape_cast %mul3A_858 : vector<1024x256xf32> to vector<32x32x256xf32>
    %transpose3A = tpu.transpose %reshape3A_859, [1, 0, 2] : vector<32x32x256xf32> -> vector<32x32x256xf32>
    %swap3A = arith.constant 0 : index
    %swap3A_860 = arith.constant 0 : index
    %swap3A_861 = arith.constant 0 : index
    %swap3A_862 = vector.load %arg43[%swap3A, %swap3A_860, %swap3A_861] : memref<32x32x256xf32, #tpu.memory_space<vmem>>, vector<32x32x256xf32>
    tpu.vector_store %arg43[%swap3A, %swap3A_860, %swap3A_861], %transpose3A {strides = array<i32>} : memref<32x32x256xf32, #tpu.memory_space<vmem>>, vector<32x32x256xf32>,
    %get3A_863 = arith.constant 0 : index
    %get3A_864 = arith.constant 0 : index
    %get3A_865 = vector.load %arg3[%get3A_863, %get3A_864] : memref<32x7xf32, #tpu.memory_space<vmem>>, vector<32x7xf32>
    %get3A_866 = arith.constant 0 : index
    %get3A_867 = arith.constant 0 : index
    %get3A_868 = vector.load %arg6[%get3A_866, %get3A_867] : memref<7x64xf32, #tpu.memory_space<vmem>>, vector<7x64xf32>
    %dot_general3A_869 = arith.constant dense<0.000000e+00> : vector<32x64xf32>
    %dot_general3A_870 = tpu.matmul %get3A_865, %get3A_868, %dot_general3A_869 {dimension_numbers = #tpu.dot_dimension_numbers<[1], [0], [0], [1], [0, 0, 1, 1], [], []>, transpose_lhs_hint = false} : vector<32x7xf32>, vector<7x64xf32>, vector<32x64xf32> -> vector<32x64xf32>
    %get3A_871 = arith.constant 0 : index
    %get3A_872 = arith.constant 0 : index
    %get3A_873 = vector.load %arg7[%get3A_871, %get3A_872] : memref<1x64xf32, #tpu.memory_space<vmem>>, vector<1x64xf32>
    %add3A_874 = vector.broadcast %get3A_873 : vector<1x64xf32> to vector<32x64xf32>
    %add3A_875 = arith.addf %dot_general3A_870, %add3A_874 : vector<32x64xf32>
    %ge3A_876 = arith.constant 0.000000e+00 : f32
    %ge3A_877 = vector.broadcast %ge3A_876 : f32 to vector<32x64xf32>
    %ge3A_878 = arith.cmpf oge, %add3A_875, %ge3A_877 : vector<32x64xf32>
    %mul3A_879 = arith.constant 0.00999999977 : f32
    %mul3A_880 = vector.broadcast %mul3A_879 : f32 to vector<32x64xf32>
    %mul3A_881 = arith.mulf %mul3A_880, %add3A_875 : vector<32x64xf32>
    %select_n3A_882 = arith.select %ge3A_878, %add3A_875, %mul3A_881 : vector<32x64xi1>, vector<32x64xf32>
    %swap3A_883 = arith.constant 0 : index
    %swap3A_884 = arith.constant 0 : index
    %swap3A_885 = vector.load %arg44[%swap3A_883, %swap3A_884] : memref<32x64xf32, #tpu.memory_space<vmem>>, vector<32x64xf32>
    tpu.vector_store %arg44[%swap3A_883, %swap3A_884], %select_n3A_882 {strides = array<i32>} : memref<32x64xf32, #tpu.memory_space<vmem>>, vector<32x64xf32>,
    return
  }
  func.func @transform_0(%arg0: i32) -> (i32, i32, i32) {
    %c0_i32 = arith.constant 0 : i32
    %c0_i32_0 = arith.constant 0 : i32
    %c0_i32_1 = arith.constant 0 : i32
    return %arg0, %c0_i32, %c0_i32_0 : i32, i32, i32
  }
  func.func @transform_1(%arg0: i32) -> (i32, i32, i32) {
    %c0_i32 = arith.constant 0 : i32
    %c0_i32_0 = arith.constant 0 : i32
    %c0_i32_1 = arith.constant 0 : i32
    return %arg0, %c0_i32, %c0_i32_0 : i32, i32, i32
  }
  func.func @transform_2(%arg0: i32) -> (i32, i32) {
    %c0_i32 = arith.constant 0 : i32
    %c0_i32_0 = arith.constant 0 : i32
    return %arg0, %c0_i32 : i32, i32
  }
  func.func @transform_3(%arg0: i32) -> (i32, i32) {
    %c0_i32 = arith.constant 0 : i32
    %c0_i32_0 = arith.constant 0 : i32
    %c0_i32_1 = arith.constant 0 : i32
    return %c0_i32, %c0_i32_0 : i32, i32
  }
  func.func @transform_4(%arg0: i32) -> (i32, i32) {
    %c0_i32 = arith.constant 0 : i32
    %c0_i32_0 = arith.constant 0 : i32
    %c0_i32_1 = arith.constant 0 : i32
    return %c0_i32, %c0_i32_0 : i32, i32
  }
  func.func @transform_5(%arg0: i32) -> (i32, i32) {
    %c0_i32 = arith.constant 0 : i32
    %c0_i32_0 = arith.constant 0 : i32
    %c0_i32_1 = arith.constant 0 : i32
    return %c0_i32, %c0_i32_0 : i32, i32
  }
  func.func @transform_6(%arg0: i32) -> (i32, i32) {
    %c0_i32 = arith.constant 0 : i32
    %c0_i32_0 = arith.constant 0 : i32
    %c0_i32_1 = arith.constant 0 : i32
    return %c0_i32, %c0_i32_0 : i32, i32
  }
  func.func @transform_7(%arg0: i32) -> (i32, i32) {
    %c0_i32 = arith.constant 0 : i32
    %c0_i32_0 = arith.constant 0 : i32
    %c0_i32_1 = arith.constant 0 : i32
    return %c0_i32, %c0_i32_0 : i32, i32
  }
  func.func @transform_8(%arg0: i32) -> (i32, i32) {
    %c0_i32 = arith.constant 0 : i32
    %c0_i32_0 = arith.constant 0 : i32
    %c0_i32_1 = arith.constant 0 : i32
    return %c0_i32, %c0_i32_0 : i32, i32
  }
  func.func @transform_9(%arg0: i32) -> (i32, i32) {
    %c0_i32 = arith.constant 0 : i32
    %c0_i32_0 = arith.constant 0 : i32
    %c0_i32_1 = arith.constant 0 : i32
    return %c0_i32, %c0_i32_0 : i32, i32
  }
  func.func @transform_10(%arg0: i32) -> (i32, i32) {
    %c0_i32 = arith.constant 0 : i32
    %c0_i32_0 = arith.constant 0 : i32
    %c0_i32_1 = arith.constant 0 : i32
    return %c0_i32, %c0_i32_0 : i32, i32
  }
  func.func @transform_11(%arg0: i32) -> (i32, i32) {
    %c0_i32 = arith.constant 0 : i32
    %c0_i32_0 = arith.constant 0 : i32
    %c0_i32_1 = arith.constant 0 : i32
    return %c0_i32, %c0_i32_0 : i32, i32
  }
  func.func @transform_12(%arg0: i32) -> (i32, i32) {
    %c0_i32 = arith.constant 0 : i32
    %c0_i32_0 = arith.constant 0 : i32
    %c0_i32_1 = arith.constant 0 : i32
    return %c0_i32, %c0_i32_0 : i32, i32
  }
  func.func @transform_13(%arg0: i32) -> (i32, i32) {
    %c0_i32 = arith.constant 0 : i32
    %c0_i32_0 = arith.constant 0 : i32
    %c0_i32_1 = arith.constant 0 : i32
    return %c0_i32, %c0_i32_0 : i32, i32
  }
  func.func @transform_14(%arg0: i32) -> (i32, i32) {
    %c0_i32 = arith.constant 0 : i32
    %c0_i32_0 = arith.constant 0 : i32
    %c0_i32_1 = arith.constant 0 : i32
    return %c0_i32, %c0_i32_0 : i32, i32
  }
  func.func @transform_15(%arg0: i32) -> (i32, i32) {
    %c0_i32 = arith.constant 0 : i32
    %c0_i32_0 = arith.constant 0 : i32
    %c0_i32_1 = arith.constant 0 : i32
    return %c0_i32, %c0_i32_0 : i32, i32
  }
  func.func @transform_16(%arg0: i32) -> (i32, i32) {
    %c0_i32 = arith.constant 0 : i32
    %c0_i32_0 = arith.constant 0 : i32
    %c0_i32_1 = arith.constant 0 : i32
    return %c0_i32, %c0_i32_0 : i32, i32
  }
  func.func @transform_17(%arg0: i32) -> (i32, i32) {
    %c0_i32 = arith.constant 0 : i32
    %c0_i32_0 = arith.constant 0 : i32
    %c0_i32_1 = arith.constant 0 : i32
    return %c0_i32, %c0_i32_0 : i32, i32
  }
  func.func @transform_18(%arg0: i32) -> (i32, i32) {
    %c0_i32 = arith.constant 0 : i32
    %c0_i32_0 = arith.constant 0 : i32
    %c0_i32_1 = arith.constant 0 : i32
    return %c0_i32, %c0_i32_0 : i32, i32
  }
  func.func @transform_19(%arg0: i32) -> (i32, i32) {
    %c0_i32 = arith.constant 0 : i32
    %c0_i32_0 = arith.constant 0 : i32
    %c0_i32_1 = arith.constant 0 : i32
    return %c0_i32, %c0_i32_0 : i32, i32
  }
  func.func @transform_20(%arg0: i32) -> (i32, i32) {
    %c0_i32 = arith.constant 0 : i32
    %c0_i32_0 = arith.constant 0 : i32
    %c0_i32_1 = arith.constant 0 : i32
    return %c0_i32, %c0_i32_0 : i32, i32
  }
  func.func @transform_21(%arg0: i32) -> (i32, i32) {
    %c0_i32 = arith.constant 0 : i32
    %c0_i32_0 = arith.constant 0 : i32
    %c0_i32_1 = arith.constant 0 : i32
    return %c0_i32, %c0_i32_0 : i32, i32
  }
  func.func @transform_22(%arg0: i32) -> (i32, i32) {
    %c0_i32 = arith.constant 0 : i32
    %c0_i32_0 = arith.constant 0 : i32
    %c0_i32_1 = arith.constant 0 : i32
    return %c0_i32, %c0_i32_0 : i32, i32
  }
  func.func @transform_23(%arg0: i32) -> (i32, i32) {
    %c0_i32 = arith.constant 0 : i32
    %c0_i32_0 = arith.constant 0 : i32
    %c0_i32_1 = arith.constant 0 : i32
    return %c0_i32, %c0_i32_0 : i32, i32
  }
  func.func @transform_24(%arg0: i32) -> (i32, i32) {
    %c0_i32 = arith.constant 0 : i32
    %c0_i32_0 = arith.constant 0 : i32
    %c0_i32_1 = arith.constant 0 : i32
    return %c0_i32, %c0_i32_0 : i32, i32
  }
  func.func @transform_25(%arg0: i32) -> (i32, i32) {
    %c0_i32 = arith.constant 0 : i32
    %c0_i32_0 = arith.constant 0 : i32
    %c0_i32_1 = arith.constant 0 : i32
    return %c0_i32, %c0_i32_0 : i32, i32
  }
  func.func @transform_26(%arg0: i32) -> (i32, i32) {
    %c0_i32 = arith.constant 0 : i32
    %c0_i32_0 = arith.constant 0 : i32
    %c0_i32_1 = arith.constant 0 : i32
    return %c0_i32, %c0_i32_0 : i32, i32
  }
  func.func @transform_27(%arg0: i32) -> (i32, i32) {
    %c0_i32 = arith.constant 0 : i32
    %c0_i32_0 = arith.constant 0 : i32
    %c0_i32_1 = arith.constant 0 : i32
    return %c0_i32, %c0_i32_0 : i32, i32
  }
  func.func @transform_28(%arg0: i32) -> (i32, i32) {
    %c0_i32 = arith.constant 0 : i32
    %c0_i32_0 = arith.constant 0 : i32
    %c0_i32_1 = arith.constant 0 : i32
    return %c0_i32, %c0_i32_0 : i32, i32
  }
  func.func @transform_29(%arg0: i32) -> (i32, i32) {
    %c0_i32 = arith.constant 0 : i32
    %c0_i32_0 = arith.constant 0 : i32
    %c0_i32_1 = arith.constant 0 : i32
    return %c0_i32, %c0_i32_0 : i32, i32
  }
  func.func @transform_30(%arg0: i32) -> (i32, i32) {
    %c0_i32 = arith.constant 0 : i32
    %c0_i32_0 = arith.constant 0 : i32
    %c0_i32_1 = arith.constant 0 : i32
    return %c0_i32, %c0_i32_0 : i32, i32
  }
  func.func @transform_31(%arg0: i32) -> (i32, i32) {
    %c0_i32 = arith.constant 0 : i32
    %c0_i32_0 = arith.constant 0 : i32
    %c0_i32_1 = arith.constant 0 : i32
    return %c0_i32, %c0_i32_0 : i32, i32
  }
  func.func @transform_32(%arg0: i32) -> (i32, i32) {
    %c0_i32 = arith.constant 0 : i32
    %c0_i32_0 = arith.constant 0 : i32
    %c0_i32_1 = arith.constant 0 : i32
    return %c0_i32, %c0_i32_0 : i32, i32
  }
  func.func @transform_33(%arg0: i32) -> (i32, i32) {
    %c0_i32 = arith.constant 0 : i32
    %c0_i32_0 = arith.constant 0 : i32
    %c0_i32_1 = arith.constant 0 : i32
    return %c0_i32, %c0_i32_0 : i32, i32
  }
  func.func @transform_34(%arg0: i32) -> (i32, i32) {
    %c0_i32 = arith.constant 0 : i32
    %c0_i32_0 = arith.constant 0 : i32
    %c0_i32_1 = arith.constant 0 : i32
    return %c0_i32, %c0_i32_0 : i32, i32
  }
  func.func @transform_35(%arg0: i32) -> (i32, i32) {
    %c0_i32 = arith.constant 0 : i32
    %c0_i32_0 = arith.constant 0 : i32
    %c0_i32_1 = arith.constant 0 : i32
    return %c0_i32, %c0_i32_0 : i32, i32
  }
  func.func @transform_36(%arg0: i32) -> (i32, i32) {
    %c0_i32 = arith.constant 0 : i32
    %c0_i32_0 = arith.constant 0 : i32
    %c0_i32_1 = arith.constant 0 : i32
    return %c0_i32, %c0_i32_0 : i32, i32
  }
  func.func @transform_37(%arg0: i32) -> (i32, i32) {
    %c0_i32 = arith.constant 0 : i32
    %c0_i32_0 = arith.constant 0 : i32
    %c0_i32_1 = arith.constant 0 : i32
    return %c0_i32, %c0_i32_0 : i32, i32
  }
  func.func @transform_38(%arg0: i32) -> (i32, i32) {
    %c0_i32 = arith.constant 0 : i32
    %c0_i32_0 = arith.constant 0 : i32
    %c0_i32_1 = arith.constant 0 : i32
    return %c0_i32, %c0_i32_0 : i32, i32
  }
  func.func @transform_39(%arg0: i32) -> (i32, i32) {
    %c0_i32 = arith.constant 0 : i32
    %c0_i32_0 = arith.constant 0 : i32
    %c0_i32_1 = arith.constant 0 : i32
    return %c0_i32, %c0_i32_0 : i32, i32
  }
  func.func @transform_40(%arg0: i32) -> (i32, i32) {
    %c0_i32 = arith.constant 0 : i32
    %c0_i32_0 = arith.constant 0 : i32
    %c0_i32_1 = arith.constant 0 : i32
    return %c0_i32, %c0_i32_0 : i32, i32
  }
  func.func @transform_41(%arg0: i32) -> (i32, i32) {
    %c0_i32 = arith.constant 0 : i32
    %c0_i32_0 = arith.constant 0 : i32
    %c0_i32_1 = arith.constant 0 : i32
    return %c0_i32, %c0_i32_0 : i32, i32
  }
  func.func @transform_42(%arg0: i32) -> (i32, i32, i32) {
    %c0_i32 = arith.constant 0 : i32
    %c0_i32_0 = arith.constant 0 : i32
    %c0_i32_1 = arith.constant 0 : i32
    return %c0_i32, %arg0, %c0_i32_0 : i32, i32, i32
  }
  func.func @transform_43(%arg0: i32) -> (i32, i32) {
    %c0_i32 = arith.constant 0 : i32
    %c0_i32_0 = arith.constant 0 : i32
    return %arg0, %c0_i32 : i32, i32
  }
}

module attributes {stable_mosaic.version = 14 : i64} {
  func.func @_k2_body(%arg0: i32, %arg1: memref<1x512x256xf32, #tpu.memory_space<vmem>>, %arg2: memref<1x512x256xf32, #tpu.memory_space<vmem>>, %arg3: memref<512x64xf32, #tpu.memory_space<vmem>>, %arg4: memref<320x768xf32, #tpu.memory_space<vmem>>, %arg5: memref<256x768xf32, #tpu.memory_space<vmem>>, %arg6: memref<1x768xf32, #tpu.memory_space<vmem>>, %arg7: memref<1x768xf32, #tpu.memory_space<vmem>>, %arg8: memref<320x768xf32, #tpu.memory_space<vmem>>, %arg9: memref<256x768xf32, #tpu.memory_space<vmem>>, %arg10: memref<1x768xf32, #tpu.memory_space<vmem>>, %arg11: memref<1x768xf32, #tpu.memory_space<vmem>>, %arg12: memref<1x512x256xf32, #tpu.memory_space<vmem>>, %arg13: memref<1x512x256xf32, #tpu.memory_space<vmem>>, %arg14: memref<512x256xf32, #tpu.memory_space<vmem>>, %arg15: memref<512x256xf32, #tpu.memory_space<vmem>>) attributes {dimension_semantics = [#tpu.dimension_semantics<arbitrary>], iteration_bounds = array<i64: 32>, scalar_prefetch = 0 : i64, scratch_operands = 2 : i64, tpu.core_type = #tpu.core_type<tc>, window_params = [{transform_indices = @transform_0, window_bounds = array<i64: 1, 512, 256>}, {transform_indices = @transform_1, window_bounds = array<i64: 1, 512, 256>}, {pipeline_mode = #tpu.pipeline_mode<synchronous>, transform_indices = @transform_2, window_bounds = array<i64: 512, 64>}, {pipeline_mode = #tpu.pipeline_mode<synchronous>, transform_indices = @transform_3, window_bounds = array<i64: 320, 768>}, {pipeline_mode = #tpu.pipeline_mode<synchronous>, transform_indices = @transform_4, window_bounds = array<i64: 256, 768>}, {pipeline_mode = #tpu.pipeline_mode<synchronous>, transform_indices = @transform_5, window_bounds = array<i64: 1, 768>}, {pipeline_mode = #tpu.pipeline_mode<synchronous>, transform_indices = @transform_6, window_bounds = array<i64: 1, 768>}, {pipeline_mode = #tpu.pipeline_mode<synchronous>, transform_indices = @transform_7, window_bounds = array<i64: 320, 768>}, {pipeline_mode = #tpu.pipeline_mode<synchronous>, transform_indices = @transform_8, window_bounds = array<i64: 256, 768>}, {pipeline_mode = #tpu.pipeline_mode<synchronous>, transform_indices = @transform_9, window_bounds = array<i64: 1, 768>}, {pipeline_mode = #tpu.pipeline_mode<synchronous>, transform_indices = @transform_10, window_bounds = array<i64: 1, 768>}, {transform_indices = @transform_11, window_bounds = array<i64: 1, 512, 256>}, {transform_indices = @transform_12, window_bounds = array<i64: 1, 512, 256>}]} {
    %eq3A = arith.constant 0 : i32
    %eq3A_0 = arith.cmpi eq, %arg0, %eq3A : i32
    %convert_element_type3A = arith.extui %eq3A_0 : i1 to i32
    %cond3A = arith.constant 0 : i32
    %cond3A_1 = arith.cmpi ne, %convert_element_type3A, %cond3A : i32
    scf.if %cond3A_1 {
      %broadcast_in_dim3A = arith.constant 0.000000e+00 : f32
      %broadcast_in_dim3A_129 = vector.broadcast %broadcast_in_dim3A : f32 to vector<512x256xf32>
      %swap3A_130 = arith.constant 0 : index
      %swap3A_131 = arith.constant 0 : index
      %swap3A_132 = vector.load %arg14[%swap3A_130, %swap3A_131] : memref<512x256xf32, #tpu.memory_space<vmem>>, vector<512x256xf32>
      tpu.vector_store %arg14[%swap3A_130, %swap3A_131], %broadcast_in_dim3A_129 {strides = array<i32>} : memref<512x256xf32, #tpu.memory_space<vmem>>, vector<512x256xf32>,
      %broadcast_in_dim3A_133 = arith.constant 0.000000e+00 : f32
      %broadcast_in_dim3A_134 = vector.broadcast %broadcast_in_dim3A_133 : f32 to vector<512x256xf32>
      %swap3A_135 = arith.constant 0 : index
      %swap3A_136 = arith.constant 0 : index
      %swap3A_137 = vector.load %arg15[%swap3A_135, %swap3A_136] : memref<512x256xf32, #tpu.memory_space<vmem>>, vector<512x256xf32>
      tpu.vector_store %arg15[%swap3A_135, %swap3A_136], %broadcast_in_dim3A_134 {strides = array<i32>} : memref<512x256xf32, #tpu.memory_space<vmem>>, vector<512x256xf32>,
    } else {
    }
    %get3A = arith.constant 0 : index
    %get3A_2 = arith.constant 0 : index
    %get3A_3 = vector.load %arg3[%get3A, %get3A_2] : memref<512x64xf32, #tpu.memory_space<vmem>>, vector<512x64xf32>
    %get3A_4 = arith.constant 0 : index
    %get3A_5 = arith.constant 0 : index
    %get3A_6 = arith.constant 0 : index
    %get3A_7 = vector.load %arg1[%get3A_4, %get3A_5, %get3A_6] : memref<1x512x256xf32, #tpu.memory_space<vmem>>, vector<1x512x256xf32>
    %get3A_8 = vector.shape_cast %get3A_7 : vector<1x512x256xf32> to vector<512x256xf32>
    %concatenate3A = tpu.concatenate %get3A_8, %get3A_3 in 1 : vector<512x256xf32>, vector<512x64xf32> -> vector<512x320xf32>
    %get3A_9 = arith.constant 0 : index
    %get3A_10 = arith.constant 0 : index
    %get3A_11 = vector.load %arg14[%get3A_9, %get3A_10] : memref<512x256xf32, #tpu.memory_space<vmem>>, vector<512x256xf32>
    %get3A_12 = arith.constant 0 : index
    %get3A_13 = arith.constant 0 : index
    %get3A_14 = vector.load %arg4[%get3A_12, %get3A_13] : memref<320x768xf32, #tpu.memory_space<vmem>>, vector<320x768xf32>
    %get3A_15 = arith.constant 0 : index
    %get3A_16 = arith.constant 0 : index
    %get3A_17 = vector.load %arg5[%get3A_15, %get3A_16] : memref<256x768xf32, #tpu.memory_space<vmem>>, vector<256x768xf32>
    %get3A_18 = arith.constant 0 : index
    %get3A_19 = arith.constant 0 : index
    %get3A_20 = vector.load %arg6[%get3A_18, %get3A_19] : memref<1x768xf32, #tpu.memory_space<vmem>>, vector<1x768xf32>
    %get3A_21 = arith.constant 0 : index
    %get3A_22 = arith.constant 0 : index
    %get3A_23 = vector.load %arg7[%get3A_21, %get3A_22] : memref<1x768xf32, #tpu.memory_space<vmem>>, vector<1x768xf32>
    %dot_general3A = arith.constant dense<0.000000e+00> : vector<512x768xf32>
    %dot_general3A_24 = tpu.matmul %concatenate3A, %get3A_14, %dot_general3A {dimension_numbers = #tpu.dot_dimension_numbers<[1], [0], [0], [1], [0, 0, 1, 1], [], []>, transpose_lhs_hint = false} : vector<512x320xf32>, vector<320x768xf32>, vector<512x768xf32> -> vector<512x768xf32>
    %add3A = vector.broadcast %get3A_20 : vector<1x768xf32> to vector<512x768xf32>
    %add3A_25 = arith.addf %dot_general3A_24, %add3A : vector<512x768xf32>
    %dot_general3A_26 = arith.constant dense<0.000000e+00> : vector<512x768xf32>
    %dot_general3A_27 = tpu.matmul %get3A_11, %get3A_17, %dot_general3A_26 {dimension_numbers = #tpu.dot_dimension_numbers<[1], [0], [0], [1], [0, 0, 1, 1], [], []>, transpose_lhs_hint = false} : vector<512x256xf32>, vector<256x768xf32>, vector<512x768xf32> -> vector<512x768xf32>
    %add3A_28 = vector.broadcast %get3A_23 : vector<1x768xf32> to vector<512x768xf32>
    %add3A_29 = arith.addf %dot_general3A_27, %add3A_28 : vector<512x768xf32>
    %slice3A = vector.extract_strided_slice %add3A_25 {offsets = [0, 0], sizes = [512, 256], strides = [1, 1]} : vector<512x768xf32> to vector<512x256xf32>
    %slice3A_30 = vector.extract_strided_slice %add3A_29 {offsets = [0, 0], sizes = [512, 256], strides = [1, 1]} : vector<512x768xf32> to vector<512x256xf32>
    %add3A_31 = arith.addf %slice3A, %slice3A_30 : vector<512x256xf32>
    %logistic3A = arith.negf %add3A_31 : vector<512x256xf32>
    %logistic3A_32 = math.exp %logistic3A : vector<512x256xf32>
    %logistic3A_33 = arith.constant 1.000000e+00 : f32
    %logistic3A_34 = vector.broadcast %logistic3A_33 : f32 to vector<512x256xf32>
    %logistic3A_35 = arith.addf %logistic3A_34, %logistic3A_32 : vector<512x256xf32>
    %logistic3A_36 = arith.divf %logistic3A_34, %logistic3A_35 : vector<512x256xf32>
    %slice3A_37 = vector.extract_strided_slice %add3A_25 {offsets = [0, 256], sizes = [512, 256], strides = [1, 1]} : vector<512x768xf32> to vector<512x256xf32>
    %slice3A_38 = vector.extract_strided_slice %add3A_29 {offsets = [0, 256], sizes = [512, 256], strides = [1, 1]} : vector<512x768xf32> to vector<512x256xf32>
    %add3A_39 = arith.addf %slice3A_37, %slice3A_38 : vector<512x256xf32>
    %logistic3A_40 = arith.negf %add3A_39 : vector<512x256xf32>
    %logistic3A_41 = math.exp %logistic3A_40 : vector<512x256xf32>
    %logistic3A_42 = arith.constant 1.000000e+00 : f32
    %logistic3A_43 = vector.broadcast %logistic3A_42 : f32 to vector<512x256xf32>
    %logistic3A_44 = arith.addf %logistic3A_43, %logistic3A_41 : vector<512x256xf32>
    %logistic3A_45 = arith.divf %logistic3A_43, %logistic3A_44 : vector<512x256xf32>
    %slice3A_46 = vector.extract_strided_slice %add3A_25 {offsets = [0, 512], sizes = [512, 256], strides = [1, 1]} : vector<512x768xf32> to vector<512x256xf32>
    %slice3A_47 = vector.extract_strided_slice %add3A_29 {offsets = [0, 512], sizes = [512, 256], strides = [1, 1]} : vector<512x768xf32> to vector<512x256xf32>
    %mul3A = arith.mulf %logistic3A_36, %slice3A_47 : vector<512x256xf32>
    %add3A_48 = arith.addf %slice3A_46, %mul3A : vector<512x256xf32>
    %tanh3A = math.tanh %add3A_48 : vector<512x256xf32>
    %sub3A = arith.constant 1.000000e+00 : f32
    %sub3A_49 = vector.broadcast %sub3A : f32 to vector<512x256xf32>
    %sub3A_50 = arith.subf %sub3A_49, %logistic3A_45 : vector<512x256xf32>
    %mul3A_51 = arith.mulf %sub3A_50, %tanh3A : vector<512x256xf32>
    %mul3A_52 = arith.mulf %logistic3A_45, %get3A_11 : vector<512x256xf32>
    %add3A_53 = arith.addf %mul3A_51, %mul3A_52 : vector<512x256xf32>
    %swap3A = arith.constant 0 : index
    %swap3A_54 = arith.constant 0 : index
    %swap3A_55 = vector.load %arg14[%swap3A, %swap3A_54] : memref<512x256xf32, #tpu.memory_space<vmem>>, vector<512x256xf32>
    tpu.vector_store %arg14[%swap3A, %swap3A_54], %add3A_53 {strides = array<i32>} : memref<512x256xf32, #tpu.memory_space<vmem>>, vector<512x256xf32>,
    %swap3A_56 = arith.constant 0 : index
    %swap3A_57 = arith.constant 0 : index
    %swap3A_58 = arith.constant 0 : index
    %swap3A_59 = vector.load %arg12[%swap3A_56, %swap3A_57, %swap3A_58] : memref<1x512x256xf32, #tpu.memory_space<vmem>>, vector<1x512x256xf32>
    %swap3A_60 = vector.shape_cast %swap3A_59 : vector<1x512x256xf32> to vector<512x256xf32>
    %swap3A_61 = vector.shape_cast %add3A_53 : vector<512x256xf32> to vector<1x512x256xf32>
    tpu.vector_store %arg12[%swap3A_56, %swap3A_57, %swap3A_58], %swap3A_61 {strides = array<i32>} : memref<1x512x256xf32, #tpu.memory_space<vmem>>, vector<1x512x256xf32>,
    %get3A_62 = arith.constant 0 : index
    %get3A_63 = arith.constant 0 : index
    %get3A_64 = arith.constant 0 : index
    %get3A_65 = vector.load %arg2[%get3A_62, %get3A_63, %get3A_64] : memref<1x512x256xf32, #tpu.memory_space<vmem>>, vector<1x512x256xf32>
    %get3A_66 = vector.shape_cast %get3A_65 : vector<1x512x256xf32> to vector<512x256xf32>
    %concatenate3A_67 = tpu.concatenate %get3A_66, %get3A_3 in 1 : vector<512x256xf32>, vector<512x64xf32> -> vector<512x320xf32>
    %get3A_68 = arith.constant 0 : index
    %get3A_69 = arith.constant 0 : index
    %get3A_70 = vector.load %arg15[%get3A_68, %get3A_69] : memref<512x256xf32, #tpu.memory_space<vmem>>, vector<512x256xf32>
    %get3A_71 = arith.constant 0 : index
    %get3A_72 = arith.constant 0 : index
    %get3A_73 = vector.load %arg8[%get3A_71, %get3A_72] : memref<320x768xf32, #tpu.memory_space<vmem>>, vector<320x768xf32>
    %get3A_74 = arith.constant 0 : index
    %get3A_75 = arith.constant 0 : index
    %get3A_76 = vector.load %arg9[%get3A_74, %get3A_75] : memref<256x768xf32, #tpu.memory_space<vmem>>, vector<256x768xf32>
    %get3A_77 = arith.constant 0 : index
    %get3A_78 = arith.constant 0 : index
    %get3A_79 = vector.load %arg10[%get3A_77, %get3A_78] : memref<1x768xf32, #tpu.memory_space<vmem>>, vector<1x768xf32>
    %get3A_80 = arith.constant 0 : index
    %get3A_81 = arith.constant 0 : index
    %get3A_82 = vector.load %arg11[%get3A_80, %get3A_81] : memref<1x768xf32, #tpu.memory_space<vmem>>, vector<1x768xf32>
    %dot_general3A_83 = arith.constant dense<0.000000e+00> : vector<512x768xf32>
    %dot_general3A_84 = tpu.matmul %concatenate3A_67, %get3A_73, %dot_general3A_83 {dimension_numbers = #tpu.dot_dimension_numbers<[1], [0], [0], [1], [0, 0, 1, 1], [], []>, transpose_lhs_hint = false} : vector<512x320xf32>, vector<320x768xf32>, vector<512x768xf32> -> vector<512x768xf32>
    %add3A_85 = vector.broadcast %get3A_79 : vector<1x768xf32> to vector<512x768xf32>
    %add3A_86 = arith.addf %dot_general3A_84, %add3A_85 : vector<512x768xf32>
    %dot_general3A_87 = arith.constant dense<0.000000e+00> : vector<512x768xf32>
    %dot_general3A_88 = tpu.matmul %get3A_70, %get3A_76, %dot_general3A_87 {dimension_numbers = #tpu.dot_dimension_numbers<[1], [0], [0], [1], [0, 0, 1, 1], [], []>, transpose_lhs_hint = false} : vector<512x256xf32>, vector<256x768xf32>, vector<512x768xf32> -> vector<512x768xf32>
    %add3A_89 = vector.broadcast %get3A_82 : vector<1x768xf32> to vector<512x768xf32>
    %add3A_90 = arith.addf %dot_general3A_88, %add3A_89 : vector<512x768xf32>
    %slice3A_91 = vector.extract_strided_slice %add3A_86 {offsets = [0, 0], sizes = [512, 256], strides = [1, 1]} : vector<512x768xf32> to vector<512x256xf32>
    %slice3A_92 = vector.extract_strided_slice %add3A_90 {offsets = [0, 0], sizes = [512, 256], strides = [1, 1]} : vector<512x768xf32> to vector<512x256xf32>
    %add3A_93 = arith.addf %slice3A_91, %slice3A_92 : vector<512x256xf32>
    %logistic3A_94 = arith.negf %add3A_93 : vector<512x256xf32>
    %logistic3A_95 = math.exp %logistic3A_94 : vector<512x256xf32>
    %logistic3A_96 = arith.constant 1.000000e+00 : f32
    %logistic3A_97 = vector.broadcast %logistic3A_96 : f32 to vector<512x256xf32>
    %logistic3A_98 = arith.addf %logistic3A_97, %logistic3A_95 : vector<512x256xf32>
    %logistic3A_99 = arith.divf %logistic3A_97, %logistic3A_98 : vector<512x256xf32>
    %slice3A_100 = vector.extract_strided_slice %add3A_86 {offsets = [0, 256], sizes = [512, 256], strides = [1, 1]} : vector<512x768xf32> to vector<512x256xf32>
    %slice3A_101 = vector.extract_strided_slice %add3A_90 {offsets = [0, 256], sizes = [512, 256], strides = [1, 1]} : vector<512x768xf32> to vector<512x256xf32>
    %add3A_102 = arith.addf %slice3A_100, %slice3A_101 : vector<512x256xf32>
    %logistic3A_103 = arith.negf %add3A_102 : vector<512x256xf32>
    %logistic3A_104 = math.exp %logistic3A_103 : vector<512x256xf32>
    %logistic3A_105 = arith.constant 1.000000e+00 : f32
    %logistic3A_106 = vector.broadcast %logistic3A_105 : f32 to vector<512x256xf32>
    %logistic3A_107 = arith.addf %logistic3A_106, %logistic3A_104 : vector<512x256xf32>
    %logistic3A_108 = arith.divf %logistic3A_106, %logistic3A_107 : vector<512x256xf32>
    %slice3A_109 = vector.extract_strided_slice %add3A_86 {offsets = [0, 512], sizes = [512, 256], strides = [1, 1]} : vector<512x768xf32> to vector<512x256xf32>
    %slice3A_110 = vector.extract_strided_slice %add3A_90 {offsets = [0, 512], sizes = [512, 256], strides = [1, 1]} : vector<512x768xf32> to vector<512x256xf32>
    %mul3A_111 = arith.mulf %logistic3A_99, %slice3A_110 : vector<512x256xf32>
    %add3A_112 = arith.addf %slice3A_109, %mul3A_111 : vector<512x256xf32>
    %tanh3A_113 = math.tanh %add3A_112 : vector<512x256xf32>
    %sub3A_114 = arith.constant 1.000000e+00 : f32
    %sub3A_115 = vector.broadcast %sub3A_114 : f32 to vector<512x256xf32>
    %sub3A_116 = arith.subf %sub3A_115, %logistic3A_108 : vector<512x256xf32>
    %mul3A_117 = arith.mulf %sub3A_116, %tanh3A_113 : vector<512x256xf32>
    %mul3A_118 = arith.mulf %logistic3A_108, %get3A_70 : vector<512x256xf32>
    %add3A_119 = arith.addf %mul3A_117, %mul3A_118 : vector<512x256xf32>
    %swap3A_120 = arith.constant 0 : index
    %swap3A_121 = arith.constant 0 : index
    %swap3A_122 = vector.load %arg15[%swap3A_120, %swap3A_121] : memref<512x256xf32, #tpu.memory_space<vmem>>, vector<512x256xf32>
    tpu.vector_store %arg15[%swap3A_120, %swap3A_121], %add3A_119 {strides = array<i32>} : memref<512x256xf32, #tpu.memory_space<vmem>>, vector<512x256xf32>,
    %swap3A_123 = arith.constant 0 : index
    %swap3A_124 = arith.constant 0 : index
    %swap3A_125 = arith.constant 0 : index
    %swap3A_126 = vector.load %arg13[%swap3A_123, %swap3A_124, %swap3A_125] : memref<1x512x256xf32, #tpu.memory_space<vmem>>, vector<1x512x256xf32>
    %swap3A_127 = vector.shape_cast %swap3A_126 : vector<1x512x256xf32> to vector<512x256xf32>
    %swap3A_128 = vector.shape_cast %add3A_119 : vector<512x256xf32> to vector<1x512x256xf32>
    tpu.vector_store %arg13[%swap3A_123, %swap3A_124, %swap3A_125], %swap3A_128 {strides = array<i32>} : memref<1x512x256xf32, #tpu.memory_space<vmem>>, vector<1x512x256xf32>,
    return
  }
  func.func @transform_0(%arg0: i32) -> (i32, i32, i32) {
    %c0_i32 = arith.constant 0 : i32
    %c0_i32_0 = arith.constant 0 : i32
    %c0_i32_1 = arith.constant 0 : i32
    return %arg0, %c0_i32, %c0_i32_0 : i32, i32, i32
  }
  func.func @transform_1(%arg0: i32) -> (i32, i32, i32) {
    %sub3A = arith.constant 31 : i32
    %sub3A_0 = arith.subi %sub3A, %arg0 : i32
    %c0_i32 = arith.constant 0 : i32
    %c0_i32_1 = arith.constant 0 : i32
    %c0_i32_2 = arith.constant 0 : i32
    return %sub3A_0, %c0_i32, %c0_i32_1 : i32, i32, i32
  }
  func.func @transform_2(%arg0: i32) -> (i32, i32) {
    %c0_i32 = arith.constant 0 : i32
    %c0_i32_0 = arith.constant 0 : i32
    %c0_i32_1 = arith.constant 0 : i32
    return %c0_i32, %c0_i32_0 : i32, i32
  }
  func.func @transform_3(%arg0: i32) -> (i32, i32) {
    %c0_i32 = arith.constant 0 : i32
    %c0_i32_0 = arith.constant 0 : i32
    %c0_i32_1 = arith.constant 0 : i32
    return %c0_i32, %c0_i32_0 : i32, i32
  }
  func.func @transform_4(%arg0: i32) -> (i32, i32) {
    %c0_i32 = arith.constant 0 : i32
    %c0_i32_0 = arith.constant 0 : i32
    %c0_i32_1 = arith.constant 0 : i32
    return %c0_i32, %c0_i32_0 : i32, i32
  }
  func.func @transform_5(%arg0: i32) -> (i32, i32) {
    %c0_i32 = arith.constant 0 : i32
    %c0_i32_0 = arith.constant 0 : i32
    %c0_i32_1 = arith.constant 0 : i32
    return %c0_i32, %c0_i32_0 : i32, i32
  }
  func.func @transform_6(%arg0: i32) -> (i32, i32) {
    %c0_i32 = arith.constant 0 : i32
    %c0_i32_0 = arith.constant 0 : i32
    %c0_i32_1 = arith.constant 0 : i32
    return %c0_i32, %c0_i32_0 : i32, i32
  }
  func.func @transform_7(%arg0: i32) -> (i32, i32) {
    %c0_i32 = arith.constant 0 : i32
    %c0_i32_0 = arith.constant 0 : i32
    %c0_i32_1 = arith.constant 0 : i32
    return %c0_i32, %c0_i32_0 : i32, i32
  }
  func.func @transform_8(%arg0: i32) -> (i32, i32) {
    %c0_i32 = arith.constant 0 : i32
    %c0_i32_0 = arith.constant 0 : i32
    %c0_i32_1 = arith.constant 0 : i32
    return %c0_i32, %c0_i32_0 : i32, i32
  }
  func.func @transform_9(%arg0: i32) -> (i32, i32) {
    %c0_i32 = arith.constant 0 : i32
    %c0_i32_0 = arith.constant 0 : i32
    %c0_i32_1 = arith.constant 0 : i32
    return %c0_i32, %c0_i32_0 : i32, i32
  }
  func.func @transform_10(%arg0: i32) -> (i32, i32) {
    %c0_i32 = arith.constant 0 : i32
    %c0_i32_0 = arith.constant 0 : i32
    %c0_i32_1 = arith.constant 0 : i32
    return %c0_i32, %c0_i32_0 : i32, i32
  }
  func.func @transform_11(%arg0: i32) -> (i32, i32, i32) {
    %c0_i32 = arith.constant 0 : i32
    %c0_i32_0 = arith.constant 0 : i32
    %c0_i32_1 = arith.constant 0 : i32
    return %arg0, %c0_i32, %c0_i32_0 : i32, i32, i32
  }
  func.func @transform_12(%arg0: i32) -> (i32, i32, i32) {
    %sub3A = arith.constant 31 : i32
    %sub3A_0 = arith.subi %sub3A, %arg0 : i32
    %c0_i32 = arith.constant 0 : i32
    %c0_i32_1 = arith.constant 0 : i32
    %c0_i32_2 = arith.constant 0 : i32
    return %sub3A_0, %c0_i32, %c0_i32_1 : i32, i32, i32
  }
}

module attributes {stable_mosaic.version = 14 : i64} {
  func.func @_k3_body(%arg0: i32, %arg1: memref<1x512x256xf32, #tpu.memory_space<vmem>>, %arg2: memref<1x512x256xf32, #tpu.memory_space<vmem>>, %arg3: memref<1x512x256xf32, #tpu.memory_space<vmem>>, %arg4: memref<1x512x256xf32, #tpu.memory_space<vmem>>, %arg5: memref<512x768xf32, #tpu.memory_space<vmem>>, %arg6: memref<256x768xf32, #tpu.memory_space<vmem>>, %arg7: memref<1x768xf32, #tpu.memory_space<vmem>>, %arg8: memref<1x768xf32, #tpu.memory_space<vmem>>, %arg9: memref<512x768xf32, #tpu.memory_space<vmem>>, %arg10: memref<256x768xf32, #tpu.memory_space<vmem>>, %arg11: memref<1x768xf32, #tpu.memory_space<vmem>>, %arg12: memref<1x768xf32, #tpu.memory_space<vmem>>, %arg13: memref<1x512xf32, #tpu.memory_space<vmem>>, %arg14: memref<1x512xf32, #tpu.memory_space<vmem>>, %arg15: memref<1x512xf32, #tpu.memory_space<vmem>>, %arg16: memref<1x512xf32, #tpu.memory_space<vmem>>, %arg17: memref<512x128xf32, #tpu.memory_space<vmem>>, %arg18: memref<1x128xf32, #tpu.memory_space<vmem>>, %arg19: memref<512x128xf32, #tpu.memory_space<vmem>>, %arg20: memref<1x128xf32, #tpu.memory_space<vmem>>, %arg21: memref<1x128xf32, #tpu.memory_space<vmem>>, %arg22: memref<1x128xf32, #tpu.memory_space<vmem>>, %arg23: memref<128x13xf32, #tpu.memory_space<vmem>>, %arg24: memref<1x13xf32, #tpu.memory_space<vmem>>, %arg25: memref<512x13xf32, #tpu.memory_space<vmem>>, %arg26: memref<512x256xf32, #tpu.memory_space<vmem>>, %arg27: memref<512x256xf32, #tpu.memory_space<vmem>>) attributes {dimension_semantics = [#tpu.dimension_semantics<arbitrary>], iteration_bounds = array<i64: 32>, scalar_prefetch = 0 : i64, scratch_operands = 2 : i64, tpu.core_type = #tpu.core_type<tc>, window_params = [{transform_indices = @transform_0, window_bounds = array<i64: 1, 512, 256>}, {transform_indices = @transform_1, window_bounds = array<i64: 1, 512, 256>}, {transform_indices = @transform_2, window_bounds = array<i64: 1, 512, 256>}, {transform_indices = @transform_3, window_bounds = array<i64: 1, 512, 256>}, {pipeline_mode = #tpu.pipeline_mode<synchronous>, transform_indices = @transform_4, window_bounds = array<i64: 512, 768>}, {pipeline_mode = #tpu.pipeline_mode<synchronous>, transform_indices = @transform_5, window_bounds = array<i64: 256, 768>}, {pipeline_mode = #tpu.pipeline_mode<synchronous>, transform_indices = @transform_6, window_bounds = array<i64: 1, 768>}, {pipeline_mode = #tpu.pipeline_mode<synchronous>, transform_indices = @transform_7, window_bounds = array<i64: 1, 768>}, {pipeline_mode = #tpu.pipeline_mode<synchronous>, transform_indices = @transform_8, window_bounds = array<i64: 512, 768>}, {pipeline_mode = #tpu.pipeline_mode<synchronous>, transform_indices = @transform_9, window_bounds = array<i64: 256, 768>}, {pipeline_mode = #tpu.pipeline_mode<synchronous>, transform_indices = @transform_10, window_bounds = array<i64: 1, 768>}, {pipeline_mode = #tpu.pipeline_mode<synchronous>, transform_indices = @transform_11, window_bounds = array<i64: 1, 768>}, {pipeline_mode = #tpu.pipeline_mode<synchronous>, transform_indices = @transform_12, window_bounds = array<i64: 1, 512>}, {pipeline_mode = #tpu.pipeline_mode<synchronous>, transform_indices = @transform_13, window_bounds = array<i64: 1, 512>}, {pipeline_mode = #tpu.pipeline_mode<synchronous>, transform_indices = @transform_14, window_bounds = array<i64: 1, 512>}, {pipeline_mode = #tpu.pipeline_mode<synchronous>, transform_indices = @transform_15, window_bounds = array<i64: 1, 512>}, {pipeline_mode = #tpu.pipeline_mode<synchronous>, transform_indices = @transform_16, window_bounds = array<i64: 512, 128>}, {pipeline_mode = #tpu.pipeline_mode<synchronous>, transform_indices = @transform_17, window_bounds = array<i64: 1, 128>}, {pipeline_mode = #tpu.pipeline_mode<synchronous>, transform_indices = @transform_18, window_bounds = array<i64: 512, 128>}, {pipeline_mode = #tpu.pipeline_mode<synchronous>, transform_indices = @transform_19, window_bounds = array<i64: 1, 128>}, {pipeline_mode = #tpu.pipeline_mode<synchronous>, transform_indices = @transform_20, window_bounds = array<i64: 1, 128>}, {pipeline_mode = #tpu.pipeline_mode<synchronous>, transform_indices = @transform_21, window_bounds = array<i64: 1, 128>}, {pipeline_mode = #tpu.pipeline_mode<synchronous>, transform_indices = @transform_22, window_bounds = array<i64: 128, 13>}, {pipeline_mode = #tpu.pipeline_mode<synchronous>, transform_indices = @transform_23, window_bounds = array<i64: 1, 13>}, {pipeline_mode = #tpu.pipeline_mode<synchronous>, transform_indices = @transform_24, window_bounds = array<i64: 512, 13>}]} {
    %eq3A = arith.constant 0 : i32
    %eq3A_0 = arith.cmpi eq, %arg0, %eq3A : i32
    %convert_element_type3A = arith.extui %eq3A_0 : i1 to i32
    %cond3A = arith.constant 0 : i32
    %cond3A_1 = arith.cmpi ne, %convert_element_type3A, %cond3A : i32
    scf.if %cond3A_1 {
      %broadcast_in_dim3A = arith.constant 0.000000e+00 : f32
      %broadcast_in_dim3A_63 = vector.broadcast %broadcast_in_dim3A : f32 to vector<512x256xf32>
      %swap3A_64 = arith.constant 0 : index
      %swap3A_65 = arith.constant 0 : index
      %swap3A_66 = vector.load %arg26[%swap3A_64, %swap3A_65] : memref<512x256xf32, #tpu.memory_space<vmem>>, vector<512x256xf32>
      tpu.vector_store %arg26[%swap3A_64, %swap3A_65], %broadcast_in_dim3A_63 {strides = array<i32>} : memref<512x256xf32, #tpu.memory_space<vmem>>, vector<512x256xf32>,
      %get3A_67 = arith.constant 0 : index
      %get3A_68 = arith.constant 0 : index
      %get3A_69 = arith.constant 0 : index
      %get3A_70 = vector.load %arg3[%get3A_67, %get3A_68, %get3A_69] : memref<1x512x256xf32, #tpu.memory_space<vmem>>, vector<1x512x256xf32>
      %get3A_71 = vector.shape_cast %get3A_70 : vector<1x512x256xf32> to vector<512x256xf32>
      %get3A_72 = arith.constant 0 : index
      %get3A_73 = arith.constant 0 : index
      %get3A_74 = arith.constant 0 : index
      %get3A_75 = vector.load %arg4[%get3A_72, %get3A_73, %get3A_74] : memref<1x512x256xf32, #tpu.memory_space<vmem>>, vector<1x512x256xf32>
      %get3A_76 = vector.shape_cast %get3A_75 : vector<1x512x256xf32> to vector<512x256xf32>
      %concatenate3A_77 = tpu.concatenate %get3A_71, %get3A_76 in 1 : vector<512x256xf32>, vector<512x256xf32> -> vector<512x512xf32>
      %get3A_78 = arith.constant 0 : index
      %get3A_79 = arith.constant 0 : index
      %get3A_80 = vector.load %arg9[%get3A_78, %get3A_79] : memref<512x768xf32, #tpu.memory_space<vmem>>, vector<512x768xf32>
      %dot_general3A_81 = arith.constant dense<0.000000e+00> : vector<512x768xf32>
      %dot_general3A_82 = tpu.matmul %concatenate3A_77, %get3A_80, %dot_general3A_81 {dimension_numbers = #tpu.dot_dimension_numbers<[1], [0], [0], [1], [0, 0, 1, 1], [], []>, transpose_lhs_hint = false} : vector<512x512xf32>, vector<512x768xf32>, vector<512x768xf32> -> vector<512x768xf32>
      %get3A_83 = arith.constant 0 : index
      %get3A_84 = arith.constant 0 : index
      %get3A_85 = vector.load %arg11[%get3A_83, %get3A_84] : memref<1x768xf32, #tpu.memory_space<vmem>>, vector<1x768xf32>
      %add3A_86 = vector.broadcast %get3A_85 : vector<1x768xf32> to vector<512x768xf32>
      %add3A_87 = arith.addf %dot_general3A_82, %add3A_86 : vector<512x768xf32>
      %get3A_88 = arith.constant 0 : index
      %get3A_89 = arith.constant 0 : index
      %get3A_90 = vector.load %arg12[%get3A_88, %get3A_89] : memref<1x768xf32, #tpu.memory_space<vmem>>, vector<1x768xf32>
      %slice3A_91 = vector.extract_strided_slice %add3A_87 {offsets = [0, 0], sizes = [512, 256], strides = [1, 1]} : vector<512x768xf32> to vector<512x256xf32>
      %slice3A_92 = vector.extract_strided_slice %get3A_90 {offsets = [0, 0], sizes = [1, 256], strides = [1, 1]} : vector<1x768xf32> to vector<1x256xf32>
      %add3A_93 = vector.broadcast %slice3A_92 : vector<1x256xf32> to vector<512x256xf32>
      %add3A_94 = arith.addf %slice3A_91, %add3A_93 : vector<512x256xf32>
      %logistic3A_95 = arith.negf %add3A_94 : vector<512x256xf32>
      %logistic3A_96 = math.exp %logistic3A_95 : vector<512x256xf32>
      %logistic3A_97 = arith.constant 1.000000e+00 : f32
      %logistic3A_98 = vector.broadcast %logistic3A_97 : f32 to vector<512x256xf32>
      %logistic3A_99 = arith.addf %logistic3A_98, %logistic3A_96 : vector<512x256xf32>
      %logistic3A_100 = arith.divf %logistic3A_98, %logistic3A_99 : vector<512x256xf32>
      %slice3A_101 = vector.extract_strided_slice %add3A_87 {offsets = [0, 256], sizes = [512, 256], strides = [1, 1]} : vector<512x768xf32> to vector<512x256xf32>
      %slice3A_102 = vector.extract_strided_slice %get3A_90 {offsets = [0, 256], sizes = [1, 256], strides = [1, 1]} : vector<1x768xf32> to vector<1x256xf32>
      %add3A_103 = vector.broadcast %slice3A_102 : vector<1x256xf32> to vector<512x256xf32>
      %add3A_104 = arith.addf %slice3A_101, %add3A_103 : vector<512x256xf32>
      %logistic3A_105 = arith.negf %add3A_104 : vector<512x256xf32>
      %logistic3A_106 = math.exp %logistic3A_105 : vector<512x256xf32>
      %logistic3A_107 = arith.constant 1.000000e+00 : f32
      %logistic3A_108 = vector.broadcast %logistic3A_107 : f32 to vector<512x256xf32>
      %logistic3A_109 = arith.addf %logistic3A_108, %logistic3A_106 : vector<512x256xf32>
      %logistic3A_110 = arith.divf %logistic3A_108, %logistic3A_109 : vector<512x256xf32>
      %slice3A_111 = vector.extract_strided_slice %add3A_87 {offsets = [0, 512], sizes = [512, 256], strides = [1, 1]} : vector<512x768xf32> to vector<512x256xf32>
      %slice3A_112 = vector.extract_strided_slice %get3A_90 {offsets = [0, 512], sizes = [1, 256], strides = [1, 1]} : vector<1x768xf32> to vector<1x256xf32>
      %mul3A_113 = vector.broadcast %slice3A_112 : vector<1x256xf32> to vector<512x256xf32>
      %mul3A_114 = arith.mulf %logistic3A_100, %mul3A_113 : vector<512x256xf32>
      %add3A_115 = arith.addf %slice3A_111, %mul3A_114 : vector<512x256xf32>
      %tanh3A_116 = math.tanh %add3A_115 : vector<512x256xf32>
      %sub3A_117 = arith.constant 1.000000e+00 : f32
      %sub3A_118 = vector.broadcast %sub3A_117 : f32 to vector<512x256xf32>
      %sub3A_119 = arith.subf %sub3A_118, %logistic3A_110 : vector<512x256xf32>
      %mul3A_120 = arith.mulf %sub3A_119, %tanh3A_116 : vector<512x256xf32>
      %swap3A_121 = arith.constant 0 : index
      %swap3A_122 = arith.constant 0 : index
      %swap3A_123 = vector.load %arg27[%swap3A_121, %swap3A_122] : memref<512x256xf32, #tpu.memory_space<vmem>>, vector<512x256xf32>
      tpu.vector_store %arg27[%swap3A_121, %swap3A_122], %mul3A_120 {strides = array<i32>} : memref<512x256xf32, #tpu.memory_space<vmem>>, vector<512x256xf32>,
    } else {
    }
    %get3A = arith.constant 0 : index
    %get3A_2 = arith.constant 0 : index
    %get3A_3 = arith.constant 0 : index
    %get3A_4 = vector.load %arg1[%get3A, %get3A_2, %get3A_3] : memref<1x512x256xf32, #tpu.memory_space<vmem>>, vector<1x512x256xf32>
    %get3A_5 = vector.shape_cast %get3A_4 : vector<1x512x256xf32> to vector<512x256xf32>
    %get3A_6 = arith.constant 0 : index
    %get3A_7 = arith.constant 0 : index
    %get3A_8 = arith.constant 0 : index
    %get3A_9 = vector.load %arg2[%get3A_6, %get3A_7, %get3A_8] : memref<1x512x256xf32, #tpu.memory_space<vmem>>, vector<1x512x256xf32>
    %get3A_10 = vector.shape_cast %get3A_9 : vector<1x512x256xf32> to vector<512x256xf32>
    %concatenate3A = tpu.concatenate %get3A_5, %get3A_10 in 1 : vector<512x256xf32>, vector<512x256xf32> -> vector<512x512xf32>
    %get3A_11 = arith.constant 0 : index
    %get3A_12 = arith.constant 0 : index
    %get3A_13 = vector.load %arg26[%get3A_11, %get3A_12] : memref<512x256xf32, #tpu.memory_space<vmem>>, vector<512x256xf32>
    %get3A_14 = arith.constant 0 : index
    %get3A_15 = arith.constant 0 : index
    %get3A_16 = vector.load %arg5[%get3A_14, %get3A_15] : memref<512x768xf32, #tpu.memory_space<vmem>>, vector<512x768xf32>
    %get3A_17 = arith.constant 0 : index
    %get3A_18 = arith.constant 0 : index
    %get3A_19 = vector.load %arg6[%get3A_17, %get3A_18] : memref<256x768xf32, #tpu.memory_space<vmem>>, vector<256x768xf32>
    %get3A_20 = arith.constant 0 : index
    %get3A_21 = arith.constant 0 : index
    %get3A_22 = vector.load %arg7[%get3A_20, %get3A_21] : memref<1x768xf32, #tpu.memory_space<vmem>>, vector<1x768xf32>
    %get3A_23 = arith.constant 0 : index
    %get3A_24 = arith.constant 0 : index
    %get3A_25 = vector.load %arg8[%get3A_23, %get3A_24] : memref<1x768xf32, #tpu.memory_space<vmem>>, vector<1x768xf32>
    %dot_general3A = arith.constant dense<0.000000e+00> : vector<512x768xf32>
    %dot_general3A_26 = tpu.matmul %concatenate3A, %get3A_16, %dot_general3A {dimension_numbers = #tpu.dot_dimension_numbers<[1], [0], [0], [1], [0, 0, 1, 1], [], []>, transpose_lhs_hint = false} : vector<512x512xf32>, vector<512x768xf32>, vector<512x768xf32> -> vector<512x768xf32>
    %add3A = vector.broadcast %get3A_22 : vector<1x768xf32> to vector<512x768xf32>
    %add3A_27 = arith.addf %dot_general3A_26, %add3A : vector<512x768xf32>
    %dot_general3A_28 = arith.constant dense<0.000000e+00> : vector<512x768xf32>
    %dot_general3A_29 = tpu.matmul %get3A_13, %get3A_19, %dot_general3A_28 {dimension_numbers = #tpu.dot_dimension_numbers<[1], [0], [0], [1], [0, 0, 1, 1], [], []>, transpose_lhs_hint = false} : vector<512x256xf32>, vector<256x768xf32>, vector<512x768xf32> -> vector<512x768xf32>
    %add3A_30 = vector.broadcast %get3A_25 : vector<1x768xf32> to vector<512x768xf32>
    %add3A_31 = arith.addf %dot_general3A_29, %add3A_30 : vector<512x768xf32>
    %slice3A = vector.extract_strided_slice %add3A_27 {offsets = [0, 0], sizes = [512, 256], strides = [1, 1]} : vector<512x768xf32> to vector<512x256xf32>
    %slice3A_32 = vector.extract_strided_slice %add3A_31 {offsets = [0, 0], sizes = [512, 256], strides = [1, 1]} : vector<512x768xf32> to vector<512x256xf32>
    %add3A_33 = arith.addf %slice3A, %slice3A_32 : vector<512x256xf32>
    %logistic3A = arith.negf %add3A_33 : vector<512x256xf32>
    %logistic3A_34 = math.exp %logistic3A : vector<512x256xf32>
    %logistic3A_35 = arith.constant 1.000000e+00 : f32
    %logistic3A_36 = vector.broadcast %logistic3A_35 : f32 to vector<512x256xf32>
    %logistic3A_37 = arith.addf %logistic3A_36, %logistic3A_34 : vector<512x256xf32>
    %logistic3A_38 = arith.divf %logistic3A_36, %logistic3A_37 : vector<512x256xf32>
    %slice3A_39 = vector.extract_strided_slice %add3A_27 {offsets = [0, 256], sizes = [512, 256], strides = [1, 1]} : vector<512x768xf32> to vector<512x256xf32>
    %slice3A_40 = vector.extract_strided_slice %add3A_31 {offsets = [0, 256], sizes = [512, 256], strides = [1, 1]} : vector<512x768xf32> to vector<512x256xf32>
    %add3A_41 = arith.addf %slice3A_39, %slice3A_40 : vector<512x256xf32>
    %logistic3A_42 = arith.negf %add3A_41 : vector<512x256xf32>
    %logistic3A_43 = math.exp %logistic3A_42 : vector<512x256xf32>
    %logistic3A_44 = arith.constant 1.000000e+00 : f32
    %logistic3A_45 = vector.broadcast %logistic3A_44 : f32 to vector<512x256xf32>
    %logistic3A_46 = arith.addf %logistic3A_45, %logistic3A_43 : vector<512x256xf32>
    %logistic3A_47 = arith.divf %logistic3A_45, %logistic3A_46 : vector<512x256xf32>
    %slice3A_48 = vector.extract_strided_slice %add3A_27 {offsets = [0, 512], sizes = [512, 256], strides = [1, 1]} : vector<512x768xf32> to vector<512x256xf32>
    %slice3A_49 = vector.extract_strided_slice %add3A_31 {offsets = [0, 512], sizes = [512, 256], strides = [1, 1]} : vector<512x768xf32> to vector<512x256xf32>
    %mul3A = arith.mulf %logistic3A_38, %slice3A_49 : vector<512x256xf32>
    %add3A_50 = arith.addf %slice3A_48, %mul3A : vector<512x256xf32>
    %tanh3A = math.tanh %add3A_50 : vector<512x256xf32>
    %sub3A = arith.constant 1.000000e+00 : f32
    %sub3A_51 = vector.broadcast %sub3A : f32 to vector<512x256xf32>
    %sub3A_52 = arith.subf %sub3A_51, %logistic3A_47 : vector<512x256xf32>
    %mul3A_53 = arith.mulf %sub3A_52, %tanh3A : vector<512x256xf32>
    %mul3A_54 = arith.mulf %logistic3A_47, %get3A_13 : vector<512x256xf32>
    %add3A_55 = arith.addf %mul3A_53, %mul3A_54 : vector<512x256xf32>
    %swap3A = arith.constant 0 : index
    %swap3A_56 = arith.constant 0 : index
    %swap3A_57 = vector.load %arg26[%swap3A, %swap3A_56] : memref<512x256xf32, #tpu.memory_space<vmem>>, vector<512x256xf32>
    tpu.vector_store %arg26[%swap3A, %swap3A_56], %add3A_55 {strides = array<i32>} : memref<512x256xf32, #tpu.memory_space<vmem>>, vector<512x256xf32>,
    %eq3A_58 = arith.constant 31 : i32
    %eq3A_59 = arith.cmpi eq, %arg0, %eq3A_58 : i32
    %convert_element_type3A_60 = arith.extui %eq3A_59 : i1 to i32
    %cond3A_61 = arith.constant 0 : i32
    %cond3A_62 = arith.cmpi ne, %convert_element_type3A_60, %cond3A_61 : i32
    scf.if %cond3A_62 {
      %get3A_63 = arith.constant 0 : index
      %get3A_64 = arith.constant 0 : index
      %get3A_65 = vector.load %arg27[%get3A_63, %get3A_64] : memref<512x256xf32, #tpu.memory_space<vmem>>, vector<512x256xf32>
      %concatenate3A_66 = tpu.concatenate %add3A_55, %get3A_65 in 1 : vector<512x256xf32>, vector<512x256xf32> -> vector<512x512xf32>
      %get3A_67 = arith.constant 0 : index
      %get3A_68 = arith.constant 0 : index
      %get3A_69 = vector.load %arg13[%get3A_67, %get3A_68] : memref<1x512xf32, #tpu.memory_space<vmem>>, vector<1x512xf32>
      %get3A_70 = arith.constant 0 : index
      %get3A_71 = arith.constant 0 : index
      %get3A_72 = vector.load %arg14[%get3A_70, %get3A_71] : memref<1x512xf32, #tpu.memory_space<vmem>>, vector<1x512xf32>
      %reduce_sum3A = arith.constant dense<0.000000e+00> : vector<512xf32>
      %reduce_sum3A_73 = vector.multi_reduction <add>, %concatenate3A_66, %reduce_sum3A [1] : vector<512x512xf32> to vector<512xf32>
      %broadcast_in_dim3A = vector.shape_cast %reduce_sum3A_73 : vector<512xf32> to vector<512x1xf32>
      %div3A = arith.constant 5.120000e+02 : f32
      %div3A_74 = vector.broadcast %div3A : f32 to vector<512x1xf32>
      %div3A_75 = arith.divf %broadcast_in_dim3A, %div3A_74 : vector<512x1xf32>
      %sub3A_76 = vector.broadcast %div3A_75 : vector<512x1xf32> to vector<512x512xf32>
      %sub3A_77 = arith.subf %concatenate3A_66, %sub3A_76 : vector<512x512xf32>
      %integer_pow3A = arith.mulf %sub3A_77, %sub3A_77 : vector<512x512xf32>
      %reduce_sum3A_78 = arith.constant dense<0.000000e+00> : vector<512xf32>
      %reduce_sum3A_79 = vector.multi_reduction <add>, %integer_pow3A, %reduce_sum3A_78 [1] : vector<512x512xf32> to vector<512xf32>
      %broadcast_in_dim3A_80 = vector.shape_cast %reduce_sum3A_79 : vector<512xf32> to vector<512x1xf32>
      %div3A_81 = arith.constant 5.120000e+02 : f32
      %div3A_82 = vector.broadcast %div3A_81 : f32 to vector<512x1xf32>
      %div3A_83 = arith.divf %broadcast_in_dim3A_80, %div3A_82 : vector<512x1xf32>
      %sub3A_84 = vector.broadcast %div3A_75 : vector<512x1xf32> to vector<512x512xf32>
      %sub3A_85 = arith.subf %concatenate3A_66, %sub3A_84 : vector<512x512xf32>
      %add3A_86 = arith.constant 9.99999974E-6 : f32
      %add3A_87 = vector.broadcast %add3A_86 : f32 to vector<512x1xf32>
      %add3A_88 = arith.addf %div3A_83, %add3A_87 : vector<512x1xf32>
      %rsqrt3A = math.rsqrt %add3A_88 : vector<512x1xf32>
      %mul3A_89 = vector.broadcast %rsqrt3A : vector<512x1xf32> to vector<512x512xf32>
      %mul3A_90 = arith.mulf %sub3A_85, %mul3A_89 : vector<512x512xf32>
      %mul3A_91 = vector.broadcast %get3A_69 : vector<1x512xf32> to vector<512x512xf32>
      %mul3A_92 = arith.mulf %mul3A_90, %mul3A_91 : vector<512x512xf32>
      %add3A_93 = vector.broadcast %get3A_72 : vector<1x512xf32> to vector<512x512xf32>
      %add3A_94 = arith.addf %mul3A_92, %add3A_93 : vector<512x512xf32>
      %get3A_95 = arith.constant 0 : index
      %get3A_96 = arith.constant 0 : index
      %get3A_97 = vector.load %arg15[%get3A_95, %get3A_96] : memref<1x512xf32, #tpu.memory_space<vmem>>, vector<1x512xf32>
      %mul3A_98 = vector.broadcast %get3A_97 : vector<1x512xf32> to vector<512x512xf32>
      %mul3A_99 = arith.mulf %add3A_94, %mul3A_98 : vector<512x512xf32>
      %get3A_100 = arith.constant 0 : index
      %get3A_101 = arith.constant 0 : index
      %get3A_102 = vector.load %arg16[%get3A_100, %get3A_101] : memref<1x512xf32, #tpu.memory_space<vmem>>, vector<1x512xf32>
      %add3A_103 = vector.broadcast %get3A_102 : vector<1x512xf32> to vector<512x512xf32>
      %add3A_104 = arith.addf %mul3A_99, %add3A_103 : vector<512x512xf32>
      %max3A = arith.constant 0.000000e+00 : f32
      %max3A_105 = vector.broadcast %max3A : f32 to vector<512x512xf32>
      %max3A_106 = arith.maximumf %add3A_104, %max3A_105 : vector<512x512xf32>
      %get3A_107 = arith.constant 0 : index
      %get3A_108 = arith.constant 0 : index
      %get3A_109 = vector.load %arg17[%get3A_107, %get3A_108] : memref<512x128xf32, #tpu.memory_space<vmem>>, vector<512x128xf32>
      %dot_general3A_110 = arith.constant dense<0.000000e+00> : vector<512x128xf32>
      %dot_general3A_111 = tpu.matmul %max3A_106, %get3A_109, %dot_general3A_110 {dimension_numbers = #tpu.dot_dimension_numbers<[1], [0], [0], [1], [0, 0, 1, 1], [], []>, transpose_lhs_hint = false} : vector<512x512xf32>, vector<512x128xf32>, vector<512x128xf32> -> vector<512x128xf32>
      %get3A_112 = arith.constant 0 : index
      %get3A_113 = arith.constant 0 : index
      %get3A_114 = vector.load %arg18[%get3A_112, %get3A_113] : memref<1x128xf32, #tpu.memory_space<vmem>>, vector<1x128xf32>
      %add3A_115 = vector.broadcast %get3A_114 : vector<1x128xf32> to vector<512x128xf32>
      %add3A_116 = arith.addf %dot_general3A_111, %add3A_115 : vector<512x128xf32>
      %get3A_117 = arith.constant 0 : index
      %get3A_118 = arith.constant 0 : index
      %get3A_119 = vector.load %arg19[%get3A_117, %get3A_118] : memref<512x128xf32, #tpu.memory_space<vmem>>, vector<512x128xf32>
      %dot_general3A_120 = arith.constant dense<0.000000e+00> : vector<512x128xf32>
      %dot_general3A_121 = tpu.matmul %add3A_94, %get3A_119, %dot_general3A_120 {dimension_numbers = #tpu.dot_dimension_numbers<[1], [0], [0], [1], [0, 0, 1, 1], [], []>, transpose_lhs_hint = false} : vector<512x512xf32>, vector<512x128xf32>, vector<512x128xf32> -> vector<512x128xf32>
      %add3A_122 = arith.addf %add3A_116, %dot_general3A_121 : vector<512x128xf32>
      %get3A_123 = arith.constant 0 : index
      %get3A_124 = arith.constant 0 : index
      %get3A_125 = vector.load %arg20[%get3A_123, %get3A_124] : memref<1x128xf32, #tpu.memory_space<vmem>>, vector<1x128xf32>
      %add3A_126 = vector.broadcast %get3A_125 : vector<1x128xf32> to vector<512x128xf32>
      %add3A_127 = arith.addf %add3A_122, %add3A_126 : vector<512x128xf32>
      %get3A_128 = arith.constant 0 : index
      %get3A_129 = arith.constant 0 : index
      %get3A_130 = vector.load %arg21[%get3A_128, %get3A_129] : memref<1x128xf32, #tpu.memory_space<vmem>>, vector<1x128xf32>
      %mul3A_131 = vector.broadcast %get3A_130 : vector<1x128xf32> to vector<512x128xf32>
      %mul3A_132 = arith.mulf %add3A_127, %mul3A_131 : vector<512x128xf32>
      %get3A_133 = arith.constant 0 : index
      %get3A_134 = arith.constant 0 : index
      %get3A_135 = vector.load %arg22[%get3A_133, %get3A_134] : memref<1x128xf32, #tpu.memory_space<vmem>>, vector<1x128xf32>
      %add3A_136 = vector.broadcast %get3A_135 : vector<1x128xf32> to vector<512x128xf32>
      %add3A_137 = arith.addf %mul3A_132, %add3A_136 : vector<512x128xf32>
      %ge3A = arith.constant 0.000000e+00 : f32
      %ge3A_138 = vector.broadcast %ge3A : f32 to vector<512x128xf32>
      %ge3A_139 = arith.cmpf oge, %add3A_137, %ge3A_138 : vector<512x128xf32>
      %mul3A_140 = arith.constant 0.00999999977 : f32
      %mul3A_141 = vector.broadcast %mul3A_140 : f32 to vector<512x128xf32>
      %mul3A_142 = arith.mulf %mul3A_141, %add3A_137 : vector<512x128xf32>
      %select_n3A = arith.select %ge3A_139, %add3A_137, %mul3A_142 : vector<512x128xi1>, vector<512x128xf32>
      %get3A_143 = arith.constant 0 : index
      %get3A_144 = arith.constant 0 : index
      %get3A_145 = vector.load %arg23[%get3A_143, %get3A_144] : memref<128x13xf32, #tpu.memory_space<vmem>>, vector<128x13xf32>
      %dot_general3A_146 = arith.constant dense<0.000000e+00> : vector<512x13xf32>
      %dot_general3A_147 = tpu.matmul %select_n3A, %get3A_145, %dot_general3A_146 {dimension_numbers = #tpu.dot_dimension_numbers<[1], [0], [0], [1], [0, 0, 1, 1], [], []>, transpose_lhs_hint = false} : vector<512x128xf32>, vector<128x13xf32>, vector<512x13xf32> -> vector<512x13xf32>
      %get3A_148 = arith.constant 0 : index
      %get3A_149 = arith.constant 0 : index
      %get3A_150 = vector.load %arg24[%get3A_148, %get3A_149] : memref<1x13xf32, #tpu.memory_space<vmem>>, vector<1x13xf32>
      %add3A_151 = vector.broadcast %get3A_150 : vector<1x13xf32> to vector<512x13xf32>
      %add3A_152 = arith.addf %dot_general3A_147, %add3A_151 : vector<512x13xf32>
      %swap3A_153 = arith.constant 0 : index
      %swap3A_154 = arith.constant 0 : index
      %swap3A_155 = vector.load %arg25[%swap3A_153, %swap3A_154] : memref<512x13xf32, #tpu.memory_space<vmem>>, vector<512x13xf32>
      tpu.vector_store %arg25[%swap3A_153, %swap3A_154], %add3A_152 {strides = array<i32>} : memref<512x13xf32, #tpu.memory_space<vmem>>, vector<512x13xf32>,
    } else {
    }
    return
  }
  func.func @transform_0(%arg0: i32) -> (i32, i32, i32) {
    %c0_i32 = arith.constant 0 : i32
    %c0_i32_0 = arith.constant 0 : i32
    %c0_i32_1 = arith.constant 0 : i32
    return %arg0, %c0_i32, %c0_i32_0 : i32, i32, i32
  }
  func.func @transform_1(%arg0: i32) -> (i32, i32, i32) {
    %c0_i32 = arith.constant 0 : i32
    %c0_i32_0 = arith.constant 0 : i32
    %c0_i32_1 = arith.constant 0 : i32
    return %arg0, %c0_i32, %c0_i32_0 : i32, i32, i32
  }
  func.func @transform_2(%arg0: i32) -> (i32, i32, i32) {
    %c31_i32 = arith.constant 31 : i32
    %c0_i32 = arith.constant 0 : i32
    %c0_i32_0 = arith.constant 0 : i32
    %c0_i32_1 = arith.constant 0 : i32
    return %c31_i32, %c0_i32, %c0_i32_0 : i32, i32, i32
  }
  func.func @transform_3(%arg0: i32) -> (i32, i32, i32) {
    %c31_i32 = arith.constant 31 : i32
    %c0_i32 = arith.constant 0 : i32
    %c0_i32_0 = arith.constant 0 : i32
    %c0_i32_1 = arith.constant 0 : i32
    return %c31_i32, %c0_i32, %c0_i32_0 : i32, i32, i32
  }
  func.func @transform_4(%arg0: i32) -> (i32, i32) {
    %c0_i32 = arith.constant 0 : i32
    %c0_i32_0 = arith.constant 0 : i32
    %c0_i32_1 = arith.constant 0 : i32
    return %c0_i32, %c0_i32_0 : i32, i32
  }
  func.func @transform_5(%arg0: i32) -> (i32, i32) {
    %c0_i32 = arith.constant 0 : i32
    %c0_i32_0 = arith.constant 0 : i32
    %c0_i32_1 = arith.constant 0 : i32
    return %c0_i32, %c0_i32_0 : i32, i32
  }
  func.func @transform_6(%arg0: i32) -> (i32, i32) {
    %c0_i32 = arith.constant 0 : i32
    %c0_i32_0 = arith.constant 0 : i32
    %c0_i32_1 = arith.constant 0 : i32
    return %c0_i32, %c0_i32_0 : i32, i32
  }
  func.func @transform_7(%arg0: i32) -> (i32, i32) {
    %c0_i32 = arith.constant 0 : i32
    %c0_i32_0 = arith.constant 0 : i32
    %c0_i32_1 = arith.constant 0 : i32
    return %c0_i32, %c0_i32_0 : i32, i32
  }
  func.func @transform_8(%arg0: i32) -> (i32, i32) {
    %c0_i32 = arith.constant 0 : i32
    %c0_i32_0 = arith.constant 0 : i32
    %c0_i32_1 = arith.constant 0 : i32
    return %c0_i32, %c0_i32_0 : i32, i32
  }
  func.func @transform_9(%arg0: i32) -> (i32, i32) {
    %c0_i32 = arith.constant 0 : i32
    %c0_i32_0 = arith.constant 0 : i32
    %c0_i32_1 = arith.constant 0 : i32
    return %c0_i32, %c0_i32_0 : i32, i32
  }
  func.func @transform_10(%arg0: i32) -> (i32, i32) {
    %c0_i32 = arith.constant 0 : i32
    %c0_i32_0 = arith.constant 0 : i32
    %c0_i32_1 = arith.constant 0 : i32
    return %c0_i32, %c0_i32_0 : i32, i32
  }
  func.func @transform_11(%arg0: i32) -> (i32, i32) {
    %c0_i32 = arith.constant 0 : i32
    %c0_i32_0 = arith.constant 0 : i32
    %c0_i32_1 = arith.constant 0 : i32
    return %c0_i32, %c0_i32_0 : i32, i32
  }
  func.func @transform_12(%arg0: i32) -> (i32, i32) {
    %c0_i32 = arith.constant 0 : i32
    %c0_i32_0 = arith.constant 0 : i32
    %c0_i32_1 = arith.constant 0 : i32
    return %c0_i32, %c0_i32_0 : i32, i32
  }
  func.func @transform_13(%arg0: i32) -> (i32, i32) {
    %c0_i32 = arith.constant 0 : i32
    %c0_i32_0 = arith.constant 0 : i32
    %c0_i32_1 = arith.constant 0 : i32
    return %c0_i32, %c0_i32_0 : i32, i32
  }
  func.func @transform_14(%arg0: i32) -> (i32, i32) {
    %c0_i32 = arith.constant 0 : i32
    %c0_i32_0 = arith.constant 0 : i32
    %c0_i32_1 = arith.constant 0 : i32
    return %c0_i32, %c0_i32_0 : i32, i32
  }
  func.func @transform_15(%arg0: i32) -> (i32, i32) {
    %c0_i32 = arith.constant 0 : i32
    %c0_i32_0 = arith.constant 0 : i32
    %c0_i32_1 = arith.constant 0 : i32
    return %c0_i32, %c0_i32_0 : i32, i32
  }
  func.func @transform_16(%arg0: i32) -> (i32, i32) {
    %c0_i32 = arith.constant 0 : i32
    %c0_i32_0 = arith.constant 0 : i32
    %c0_i32_1 = arith.constant 0 : i32
    return %c0_i32, %c0_i32_0 : i32, i32
  }
  func.func @transform_17(%arg0: i32) -> (i32, i32) {
    %c0_i32 = arith.constant 0 : i32
    %c0_i32_0 = arith.constant 0 : i32
    %c0_i32_1 = arith.constant 0 : i32
    return %c0_i32, %c0_i32_0 : i32, i32
  }
  func.func @transform_18(%arg0: i32) -> (i32, i32) {
    %c0_i32 = arith.constant 0 : i32
    %c0_i32_0 = arith.constant 0 : i32
    %c0_i32_1 = arith.constant 0 : i32
    return %c0_i32, %c0_i32_0 : i32, i32
  }
  func.func @transform_19(%arg0: i32) -> (i32, i32) {
    %c0_i32 = arith.constant 0 : i32
    %c0_i32_0 = arith.constant 0 : i32
    %c0_i32_1 = arith.constant 0 : i32
    return %c0_i32, %c0_i32_0 : i32, i32
  }
  func.func @transform_20(%arg0: i32) -> (i32, i32) {
    %c0_i32 = arith.constant 0 : i32
    %c0_i32_0 = arith.constant 0 : i32
    %c0_i32_1 = arith.constant 0 : i32
    return %c0_i32, %c0_i32_0 : i32, i32
  }
  func.func @transform_21(%arg0: i32) -> (i32, i32) {
    %c0_i32 = arith.constant 0 : i32
    %c0_i32_0 = arith.constant 0 : i32
    %c0_i32_1 = arith.constant 0 : i32
    return %c0_i32, %c0_i32_0 : i32, i32
  }
  func.func @transform_22(%arg0: i32) -> (i32, i32) {
    %c0_i32 = arith.constant 0 : i32
    %c0_i32_0 = arith.constant 0 : i32
    %c0_i32_1 = arith.constant 0 : i32
    return %c0_i32, %c0_i32_0 : i32, i32
  }
  func.func @transform_23(%arg0: i32) -> (i32, i32) {
    %c0_i32 = arith.constant 0 : i32
    %c0_i32_0 = arith.constant 0 : i32
    %c0_i32_1 = arith.constant 0 : i32
    return %c0_i32, %c0_i32_0 : i32, i32
  }
  func.func @transform_24(%arg0: i32) -> (i32, i32) {
    %c0_i32 = arith.constant 0 : i32
    %c0_i32_0 = arith.constant 0 : i32
    %c0_i32_1 = arith.constant 0 : i32
    return %c0_i32, %c0_i32_0 : i32, i32
  }
}

</mosaic_0001>

<sc_bundles>
// kernel: kernel.6.cloned.1.call-start
scs
__scs_entry_jumppad:
0x0: {  	(pc) =	sbr.rel $0x88, $3  }
0x1: {  	(tag) =	ssettag $0x0;
	lr =	simm.s32 $0x1  }
0x2: {  	[smem:$0x3F62] =	sst lr;
	_ =	strace $0xD0000000  }
0x3: {  	_ = 	snop  }
0x4: {  	_ = 	snop  }
0x5: {  	_ = 	snop  }
0x6: {  	_ = 	snop  }
0x7: {  	_ = 	snop  }
__scs_overlays_trampoline_lowered:
0x8: {  	[smem:$0x3F71] =	sst s0  }
0x9: {  	[smem:$0x3F72] =	sst s1  }
0xa: {  	[smem:$0x3F73] =	sst s2  }
0xb: {  	[smem:$0x3F74] =	sst s3  }
0xc: {  	[smem:$0x3F75] =	sst s4  }
0xd: {  	[smem:$0x3F76] =	sst s5  }
0xe: {  	[smem:$0x3F77] =	sst s6  }
0xf: {  	[smem:$0x3F78] =	sst s7  }
0x10: {  	[smem:$0x3F79] =	sst s8  }
0x11: {  	[smem:$0x3F7A] =	sst s9;
	s0 =	simm.s32 @!p0 $0x0  }
0x12: {  	s1 =	sld [smem:$0x3F60];
	s0 =	simm.s32 @p0 $0x1  }
0x13: {  	[smem:$0x3F7B] =	sst s0;
	s0 =	simm.s32 @!p1 $0x0  }
0x14: {  	s2 =	sld [smem:$0x3F5F];
	s0 =	simm.s32 @p1 $0x1  }
0x15: {  	[smem:$0x3F7C] =	sst s0;
	s0 =	simm.s32 @!p2 $0x0  }
0x16: {  	s3 =	sld [smem:$0x3FDB];
	s0 =	simm.s32 @p2 $0x1  }
0x17: {  	s4 =	simm.s32 $0x1BF5;
	[smem:$0x3F7E] =	sst s0  }
0x18: {  	s0 =	sld [smem:$0x3F61];
	_ =	swait.ge [sflag:s4], $0x0  }
0x19: {  	s7 =	sld [smem:$0x3F62]  }
0x1a: {  	s8 =	sadd.s32 $0xFFFFE003, lr  }
0x1b: {  	s9 =	sadd.s32 $0xFFFFFEF7, lr;
	s5 =	simm.s32 $0xFFFFFFFF;
	p2 =	slt.u32 s8, $0xFFFFF086  }
0x1c: {  	p1 =	slt.u32 s9, $0xF7A;
	s5 =	simm.s32 @!p2 $0x0  }
0x1d: {  	s5 =	simm.s32 @p1 $0x1;
	p0 =	seq.s32 s7, s2  }
0x1e: {  	s7 =	smul.u32 @!p0 $0xF7A, s2;
	p2 =	seq.s32 @!p0 s5, $0x0  }
0x1f: {  	s9 =	smul.u32 $0xF7A, s1;
	s8 =	simm.s32 @!p0 $0x1BF5;
	p2 =	por !p2, p0  }
0x20: {  	[sflag:s8] =	ssyncset.s32 @!p0 $0xFFFFF086;
	s6 =	sadd.s32 @!p0 s3, s7;
	s7 =	simm.s32 @!p0 $0x108  }
0x21: {  	s3 =	sadd.s32 s3, s9;
	s6 =	sadd.s32 @!p0 $0x88, s6;
	s7 =	simm.s32 @p2 $0x1082  }
0x22: {  	[simem:s7], [sflag:s8] =	dma.local @!p0 [hbm:s6], $0xF7A  }
0x23: {  	s9 =	sor.u32 $0xD0000000, s2;
	s6 =	simm.s32 $0x108;
	_ =	swait.ge @!p0 [sflag:s8], $0x0  }
0x24: {  	s3 =	sadd.s32 $0x88, s3;
	s6 =	simm.s32 @!p1 $0x1082;
	[sflag:s4] =	ssyncset.s32 $0xFFFFF086  }
0x25: {  	[simem:s6], [sflag:s4] =	dma.local [hbm:s3], $0xF7A  }
0x26: {  	[smem:$0x3F62] =	sst s1;
	(tag) =	ssettag s2;
	_ =	strace s9  }
0x27: {  	s1 =	sld [smem:$0x3F72]  }
0x28: {  	s2 =	sld [smem:$0x3F73]  }
0x29: {  	s4 =	sld [smem:$0x3F75]  }
0x2a: {  	p0 =	seq.s32 s5, $0x0;
	s5 =	sld [smem:$0x3F76]  }
0x2b: {  	s6 =	sld [smem:$0x3F77]  }
0x2c: {  	s7 =	sld [smem:$0x3F78]  }
0x2d: {  	s3 =	simm.s32 $0x108;
	s8 =	sld [smem:$0x3F79]  }
0x2e: {  	s3 =	simm.s32 @!p0 $0x1082;
	s9 =	sld [smem:$0x3F7A]  }
0x2f: {  	lr =	sadd.s32 s0, s3;
	s0 =	sld [smem:$0x3F71]  }
0x30: {  	s3 =	sld [smem:$0x3F74]  }
0x31: {  	[smem:$0x3F7D] =	sst s10  }
0x32: {  	s10 =	sld [smem:$0x3F7B];
	_ =	sdelay $0x3  }
0x33: {  	p0 =	seq.s32 s10, $0x1;
	s10 =	sld [smem:$0x3F7D];
	_ =	sdelay $0x3  }
0x34: {  	[smem:$0x3F7D] =	sst s10  }
0x35: {  	s10 =	sld [smem:$0x3F7C];
	_ =	sdelay $0x3  }
0x36: {  	p1 =	seq.s32 s10, $0x1;
	s10 =	sld [smem:$0x3F7D];
	_ =	sdelay $0x3  }
0x37: {  	[smem:$0x3F7D] =	sst s10  }
0x38: {  	s10 =	sld [smem:$0x3F7E]  }
0x39: {  	_ = 	snop;
	(pc) =	sbr.ind lr, $3  }
0x3a: {  	_ = 	snop  }
0x3b: {  	_ = 	snop  }
0x3c: {  	p2 =	seq.s32 s10, $0x1;
	s10 =	sld [smem:$0x3F7D]  }
0x3d: {  	_ =	shalt  }
0x3e: {  	_ =	shalt  }
0x3f: {  	_ =	shalt  }
0x40: {  	_ =	shalt  }
0x41: {  	_ =	shalt  }
0x42: {  	_ =	shalt  }
0x43: {  	_ =	shalt  }
0x44: {  	_ =	shalt  }
0x45: {  	_ =	shalt  }
0x46: {  	_ =	shalt  }
0x47: {  	_ =	shalt  }
0x48: {  	_ =	shalt  }
0x49: {  	_ =	shalt  }
0x4a: {  	_ =	shalt  }
0x4b: {  	_ =	shalt  }
0x4c: {  	_ =	shalt  }
0x4d: {  	_ =	shalt  }
0x4e: {  	_ =	shalt  }
0x4f: {  	_ =	shalt  }
0x50: {  	_ =	shalt  }
0x51: {  	_ =	shalt  }
0x52: {  	_ =	shalt  }
0x53: {  	_ =	shalt  }
0x54: {  	_ =	shalt  }
0x55: {  	_ =	shalt  }
0x56: {  	_ =	shalt  }
0x57: {  	_ =	shalt  }
0x58: {  	_ =	shalt  }
0x59: {  	_ =	shalt  }
0x5a: {  	_ =	shalt  }
0x5b: {  	_ =	shalt  }
0x5c: {  	_ =	shalt  }
0x5d: {  	_ =	shalt  }
0x5e: {  	_ =	shalt  }
0x5f: {  	_ =	shalt  }
0x60: {  	_ =	shalt  }
0x61: {  	_ =	shalt  }
0x62: {  	_ =	shalt  }
0x63: {  	_ =	shalt  }
0x64: {  	_ =	shalt  }
0x65: {  	_ =	shalt  }
0x66: {  	_ =	shalt  }
0x67: {  	_ =	shalt  }
0x68: {  	_ =	shalt  }
0x69: {  	_ =	shalt  }
0x6a: {  	_ =	shalt  }
0x6b: {  	_ =	shalt  }
0x6c: {  	_ =	shalt  }
0x6d: {  	_ =	shalt  }
0x6e: {  	_ =	shalt  }
0x6f: {  	_ =	shalt  }
0x70: {  	_ =	shalt  }
0x71: {  	_ =	shalt  }
0x72: {  	_ =	shalt  }
0x73: {  	_ =	shalt  }
0x74: {  	_ =	shalt  }
0x75: {  	_ =	shalt  }
0x76: {  	_ =	shalt  }
0x77: {  	_ =	shalt  }
0x78: {  	_ =	shalt  }
0x79: {  	_ =	shalt  }
0x7a: {  	_ =	shalt  }
0x7b: {  	_ =	shalt  }
0x7c: {  	_ =	shalt  }
0x7d: {  	_ =	shalt  }
0x7e: {  	_ =	shalt  }
0x7f: {  	_ =	shalt  }
0x80: {  	_ =	shalt  }
0x81: {  	_ =	shalt  }
0x82: {  	_ =	shalt  }
0x83: {  	_ =	shalt  }
0x84: {  	_ =	shalt  }
0x85: {  	_ =	shalt  }
0x86: {  	_ =	shalt  }
0x87: {  	_ =	shalt  }
.Lfunc_end0:
.L_simem_size_0:
called_computation_lowered:
.L_overlay_start_0:
0x88: {  	s2 =	sld [smem:$0x3FD9]  }
0x89: {  	s3 =	sld [smem:$0x3FFE];
	_ =	sdelay $0x1  }
0x8a: {  	s1 =	srdreg.scid  }
0x8b: {  	s0 =	sand.u32 $0x1, s1  }
0x8c: {  	s16 =	sshll.u32 s0, $0xA;
	s2 =	sadd.s32 s3, s2  }
0x8d: {  	s2 =	sadd.s32 s2, s16  }
0x8e: {  	[smem:$0x3F89] =	sst s2  }
0x8f: {  	_ = 	snop  }
0x90: {  	(tm) =	ssettm $0x1  }
0x91: {  	s17 =	sld [smem:$0x3FFB];
	_ =	sdelay $0x3  }
0x92: {  	_ =	strace s17  }
0x93: {  	s2 =	sld [smem:$0x3FFC];
	_ =	sdelay $0x3  }
0x94: {  	_ =	strace s2  }
0x95: {  	s2 =	sld [smem:$0x3FFD];
	_ =	sdelay $0x3  }
0x96: {  	_ =	strace s2  }
0x97: {  	_ =	strace $0x8FFFFFFF  }
0x98: {  	s18 =	sld [smem:$0x3FDB];
	_ =	sdelay $0x1  }
0x99: {  	s19 =	simm.s32 $_scs_section_size  }
0x9a: {  	s4 =	simm.s32 $_size__tile_overlayer_lowered;
	s5 =	simm.s32 $_tile_overlayer_lowered  }
0x9b: {  	s22 =	simm.s32 $0x1BFF;
	s21 =	sshll.u32 s5, $0x1;
	s2 =	sadd.s32 s19, s18  }
0x9c: {  	s6 =	simm.s32 $0x0;
	s20 =	sshll.u32 s4, $0x1;
	s4 =	sadd.s32 s21, s2  }
0x9d: {  	[timem:s6], [sflag:s22] =	dma.local [hbm:s4], s20  }
0x9e: {  	_ =	swait.ge [sflag:s22], s20  }
0x9f: {  	s3 =	ssub.s32 $0x0, s20;
	[sflag:s22] =	ssyncset.done $0x0  }
0xa0: {  	[sflag:s22] =	ssyncadd.s32 s3;
	_ =	sdelay $0x1  }
0xa1: {  	s23 =	simm.s32 $0x1B8B  }
0xa2: {  	_ =	swait.ge [sflag:s23], $0x1  }
0xa3: {  	[sflag:s23] =	ssyncset.done $0x0  }
0xa4: {  	s25 =	simm.s32 $0x1B8E;
	s24 =	sld [smem:$0x3FFE];
	[sflag:s23] =	ssyncadd.s32 $0xFFFFFFFF  }
0xa5: {  	s26 =	simm.s32 $execute0_lowered;
	[smem:$0x3FD2] =	sst s25  }
0xa6: {  	s4 =	sshll.u32 s26, $0x1;
	_ =	strace $0x80000046;
	[dreg:$0x1] =	wrdreg $0xFFFFFFFF  }
0xa7: {  	s28 =	simm.s32 $_size_execute0_lowered;
	s2 =	sadd.s32 s2, s4;
	[dreg:$0x0] =	wrdreg $0x0  }
0xa8: {  	s4 =	sshll.u32 s28, $0x1;
	[dreg:$0x2] =	wrdreg s2  }
0xa9: {  	[dreg:$0x3] =	wrdreg s4  }
0xaa: {  	[dreg:$0x4] =	wrdreg $0xC0  }
0xab: {  	_ =	task [dreg:s6], $0x5FFFF  }
0xac: {  	[dreg:$0x1] =	wrdreg $0xFFFFFFFF  }
0xad: {  	[dreg:$0x0] =	wrdreg $0x60  }
0xae: {  	[dreg:$0x2] =	wrdreg s24  }
0xaf: {  	[dreg:$0x3] =	wrdreg $0x9  }
0xb0: {  	_ =	task.clear_ibuf [dreg:s6], $0x4FFFF;
	_ =	strace $0x90000046  }
0xb1: {  	s29 =	simm.s32 $0x9;
	_ =	strace $0x80000048  }
0xb2: {  	_ =	swait.ge [sflag:s29], $0x1  }
0xb3: {  	[sflag:s29] =	ssyncadd.s32 $0xFFFFFFFF  }
0xb4: {  	_ =	strace $0x90000048  }
0xb5: {  	_ =	sfence  }
0xb6: {  	s30 =	sld [smem:$0x0];
	_ =	sdelay $0x2  }
0xb7: {  	s31 =	sshll.u32 s1, $0xD;
	s1 =	sshrl.u32 s1, $0x2  }
0xb8: {  	s3 =	sand.u32 $0x4000, s31;
	s1 =	sadd.s32 s1, s30  }
0xb9: {  	s0 =	sor.u32 s3, s0;
	s1 =	sshll.u32 s1, $0x11  }
0xba: {  	s0 =	sor.u32 s1, s0  }
0xbb: {  	s0 =	sadd.s32 $0x8F2B, s0  }
0xbc: {  	[sflag:s0] =	ssyncadd.remote.s32 $0x1  }
0xbd: {  	_ =	sfence.sel $0xFFFF  }
0xbe: {  	[dreg:$0x0] =	wrdreg $0xFFFFFFFF;
	(pc) =	sbr.abs _section_cstart, $3  }
0xbf: {  	[dreg:$0x1] =	wrdreg $0xFFFFFFFF  }
0xc0: {  	_ =	task.clear_ibuf [dreg:s6], $0x2FFFF;
	_ =	strace $0x9FFFFFFF  }
0xc1: {  	(tm) =	ssettm $0x7FFFFFFF  }
tec
execute0_lowered:
.L_overlay_start_1:
0x0: {  	(tag) =	ssettag $0x1  }
0x1: {  	s1 =	srdreg.scid  }
0x2: {  	s0 =	stileid.u32;
	s6 =	sand.u32 $0x1, s1  }
0x3: {  	s8 =	rddreg [dreg:$0x0];
	s30 =	sshll.u32 s0, $0xA;
	s2 =	sshll.u32 s6, $0x9  }
0x4: {  	s7 =	simm.s32 $0x1;
	s1 =	rddreg [dreg:$0x1];
	s9 =	sor.u32 s2, s30  }
0x5: {  	s5 =	sadd.s32 $0xCE00, s8;
	s2 =	simm.s32 $0x0;
	s3 =	sshrl.u32 s9, $0x3  }
0x6: {  	s10 =	ssub.s32 $0x2, s6;
	[smem:$0x7FF] =	sst s2;
	s3 =	sadd.s32 s3, s8  }
0x7: {  	_ =	strace $0x80000047;
	s4 =	sadd.s32 $0xC600, s3;
	s3 =	simm.s32 $0x2  }
0x8: {  	[tilespmem:s2], [sflag:$0x2] =	stream.linear.gather [hbm4b:s4+s2], $0x200, $0x38;
	[tilespmem:$0x10200] =	vst v63  }
0x9: {  	s6 =	simm.s32 $0x200;
	s11 =	sshrl.u32 s10, $0x1;
	_ =	swait.ge [sflag:s3], $0x200  }
0xa: {  	s9 =	sshll.u32 s9, $0x4;
	s31 =	ssub.s32 s10, s11;
	[sflag:s3] =	ssyncset.done $0x0  }
0xb: {  	s8 =	sadd.s32 s9, s8;
	s9 =	smax.u32 s31, $0x1;
	[sflag:s3] =	ssyncadd.s32 $0xFFFFFE00  }
0xc: {  	[tilespmem:s6], [sflag:$0x1] =	stream.indirect.gather [hbm4b:s5+s6], $0x80, s2, s6, $0xb8;
	[tilespmem:$0x10200] =	vst v63  }
0xd: {  	p0 =	sne.s32 s9, $0x1;
	_ =	swait.ge [sflag:s7], $0x10000  }
.Ltmp0:
0xe: {  	[sflag:s7] =	ssyncset.done $0x0;
	(pc) =	sbr.rel @!p0 .LBB2_2-.Ltmp0, $4  }
0xf: {  	s8 =	sadd.s32 $0x20800, s8;
	[sflag:s7] =	ssyncadd.s32 $0xFFFF0000  }
0x10: {  	[hbm4b:s8+s2] =	stream.linear.scatter [tilespmem:s6], [sflag:$0x2], $0x10000, $0x38;
	[tilespmem:$0x10200] =	vst v63  }
0x11: {  	_ =	swait.ge [sflag:s3], $0x10000  }
0x12: {  	s9 =	sadd.s32 $0xFFFFFFFF, s9;
	[sflag:s3] =	ssyncset.done $0x0  }
.LBB2_1:
0x13: {  	p0 =	sne.s32 s9, $0x1;
	s9 =	sadd.s32 $0xFFFFFFFF, s9;
	[sflag:s3] =	ssyncadd.s32 $0xFFFF0000  }
0x14: {  	[tilespmem:s2], [sflag:$0x2] =	stream.linear.gather [hbm4b:s4+s2], $0x200, $0x38;
	[tilespmem:$0x10200] =	vst v63  }
0x15: {  	_ =	swait.ge [sflag:s3], $0x200  }
0x16: {  	[sflag:s3] =	ssyncset.done $0x0  }
0x17: {  	[sflag:s3] =	ssyncadd.s32 $0xFFFFFE00  }
0x18: {  	[tilespmem:s6], [sflag:$0x1] =	stream.indirect.gather [hbm4b:s5+s6], $0x80, s2, s6, $0xb8;
	[tilespmem:$0x10200] =	vst v63  }
0x19: {  	_ =	swait.ge [sflag:s7], $0x10000  }
.Ltmp1:
0x1a: {  	[sflag:s7] =	ssyncset.done $0x0;
	(pc) =	sbr.rel @p0 .LBB2_1-.Ltmp1, $4  }
0x1b: {  	[sflag:s7] =	ssyncadd.s32 $0xFFFF0000  }
0x1c: {  	[hbm4b:s8+s2] =	stream.linear.scatter [tilespmem:s6], [sflag:$0x2], $0x10000, $0x38;
	[tilespmem:$0x10200] =	vst v63  }
0x1d: {  	_ =	swait.ge [sflag:s3], $0x10000  }
0x1e: {  	[sflag:s3] =	ssyncset.done $0x0  }
.LBB2_2:
0x1f: {  	[sflag:s3] =	ssyncadd.s32 $0xFFFF0000  }
0x20: {  	_ =	sfence.sel $0x180000  }
0x21: {  	[bflag:$0x0] =	sbarrier.arrive $0xFFFF  }
0x22: {  	p0 =	sne.s32 s0, $0x0;
	_ =	strace $0x90000047  }
0x23: {  	s0 =	sadd.s32 @!p0 $0x100000, s1;
	[bflag:$0x2] =	sbarrier.arrive $0xFFFF  }
0x24: {  	[sflag:s0] =	ssyncadd.tile.s32 @!p0 $0x1;
	_ =	shalt  }
.Lfunc_end2:
_tile_overlayer_lowered:
.L_overlay_start_2:
0x25: {  	(tag) =	ssettag $0x2  }
0x26: {  	s0 =	rddreg [dreg:$0x0];
	s2 =	stileid.u32  }
0x27: {  	s1 =	rddreg [dreg:$0x1];
	p0 =	sne.s32 s2, $0x0  }
0x28: {  	s3 =	rddreg [dreg:$0x2];
	[bflag:$0x3] =	sbarrier.arrive $0xFFFF;
	s2 =	simm.s32 @!p0 $0x1C02  }
0x29: {  	[timem:s3], [sflag:s2] =	dma.local @!p0 [hbm:s0], s1  }
0x2a: {  	s0 =	simm.s32 @!p0 $0x2  }
0x2b: {  	_ =	swait.ge @!p0 [sflag:s0], s1  }
0x2c: {  	s1 =	ssub.s32 @!p0 $0x0, s1;
	[sflag:s0] =	ssyncset.done @!p0 $0x0  }
0x2d: {  	[sflag:s0] =	ssyncadd.s32 @!p0 s1  }
0x2e: {  	[bflag:$0x3] =	sbarrier.arrive $0xFFFF  }
0x2f: {  	_ =	shalt  }

</sc_bundles>
